<compile_context>
chip_gen: v7x
topology: tpu7x:2x2x1
jax: 0.10.2.dev20260603
libtpu: 0.0.44.dev20260713+nightly
codegen_flags: <defaults>
</compile_context>

<pallas_src>
import jax
import jax.numpy as jnp
from jax import lax
from jax.experimental import pallas as pl
from jax.experimental.pallas import tpu as pltpu
from jax.experimental.pallas import tpu_sc as plsc

_B = 256
_C = 100
_CP = 112
_EPS = 1e-6
_F32 = jnp.float32
_I32 = jnp.int32
_HI = lax.Precision.HIGHEST
_DN = (((1,), (1,)), ((), ()))

_NW = 16
_RPW = _B // _NW


def _tc_body(t_ref, mu_ref, eta_ref, ep_ref, pred_ref, labr_ref, sim_ref,
             loss_ref):
    T = t_ref[0, 0]
    mu = mu_ref[0, 0]
    eta = eta_ref[0, 0]
    epochi = ep_ref[0, 0]

    x = pred_ref[...] / T
    m = jnp.max(x, axis=1, keepdims=True)
    e = jnp.exp(x - m)
    s = jnp.sum(e, axis=1, keepdims=True)
    p = e / s

    logpe = jnp.log(p + _EPS)
    ent = jnp.sum(p * jnp.log(p + 1e-30), axis=1, keepdims=True)

    K = ent - lax.dot_general(p, logpe, _DN, precision=_HI,
                              preferred_element_type=_F32)
    K = K + _EPS * (1.0 + _C * _EPS)

    ia = lax.broadcasted_iota(_I32, (_B, _B), 0)
    ib = lax.broadcasted_iota(_I32, (_B, _B), 1)
    eyef = (ia == ib).astype(_F32)

    labrf = labr_ref[...].astype(_F32)
    labcf = jnp.sum(eyef * labrf, axis=1, keepdims=True)
    iocf = lax.broadcasted_iota(_I32, (_B, _C), 1).astype(_F32)
    onehot = (labcf == iocf).astype(_F32)

    G = lax.dot_general(p, onehot, _DN, precision=_HI,
                        preferred_element_type=_F32)
    Gt = lax.dot_general(onehot, p, _DN, precision=_HI,
                         preferred_element_type=_F32)
    d_col = jnp.sum(p * onehot, axis=1, keepdims=True)
    d_row = jnp.sum(G * eyef, axis=0, keepdims=True)

    term1 = d_col * jnp.log(d_col / (Gt + _EPS) + _EPS)
    term2 = G * jnp.log(G / (d_row + _EPS) + _EPS)
    S = term1 + term2

    R = lax.dot_general(onehot, sim_ref[...], (((1,), (0,)), ((), ())),
                        precision=_HI, preferred_element_type=_F32)
    simb = lax.dot_general(R, onehot, _DN, precision=_HI,
                           preferred_element_type=_F32)

    triu = (ib > ia).astype(_F32)
    same = (labcf == labrf).astype(_F32)
    same_t = triu * same
    diff_t = triu * (1.0 - same)

    IC_sum = jnp.sum(jnp.abs(K) * same_t)
    simw = jnp.where(epochi == 0, 1.0, simb)
    ISC_sum = jnp.sum(jnp.abs(S * simw) * diff_t)
    same_count = jnp.sum(same_t)
    diff_count = jnp.sum(diff_t)

    IC = jnp.where(same_count != 0.0, IC_sum / same_count, IC_sum)
    ISC = jnp.where(diff_count != 0.0, ISC_sum / diff_count, ISC_sum)
    ISC = jnp.where(ISC != 0.0, 1.0 / (ISC + _EPS) * mu, ISC)
    loss_ref[...] = jnp.broadcast_to(IC * eta + ISC, (1, 1))


def _tc_loss(predicts, labels, sim_all, epoch, T, mu, eta):
    B, C = predicts.shape
    labr = labels.astype(_I32).reshape(1, B)
    t_a = jnp.asarray(T, _F32).reshape(1, 1)
    mu_a = jnp.asarray(mu, _F32).reshape(1, 1)
    eta_a = jnp.asarray(eta, _F32).reshape(1, 1)
    ep_a = jnp.asarray(epoch, _I32).reshape(1, 1)

    loss = pl.pallas_call(
        _tc_body,
        in_specs=[pl.BlockSpec(memory_space=pltpu.SMEM)] * 4 +
                 [pl.BlockSpec(memory_space=pltpu.VMEM)] * 3,
        out_specs=pl.BlockSpec(memory_space=pltpu.VMEM),
        out_shape=jax.ShapeDtypeStruct((1, 1), _F32),
    )(t_a, mu_a, eta_a, ep_a, predicts.astype(_F32), labr,
      sim_all.astype(_F32))
    return loss.reshape(())


_CHUNK_BASES = (0, 16, 32, 48, 64, 80, 84)
_ZCH = 640


def _sc_body(pred_hbm, lab_hbm, out_hbm, scr2, labv_ref, idx_stage,
             val_stage, zbuf, obuf, sh_acc):
    c = lax.axis_index("c")
    s = lax.axis_index("s")

    @pl.when(c == 0)
    def _worker():
        lanes = lax.iota(_I32, 16)
        pltpu.sync_copy(pred_hbm.at[pl.ds(s * _RPW, _RPW)], scr2)
        pltpu.sync_copy(lab_hbm.at[pl.ds(s * _RPW, _RPW)], labv_ref)

        zero16 = jnp.zeros((16,), _F32)
        for z in range(_ZCH // 16):
            zbuf[pl.ds(z * 16, 16)] = zero16
        pltpu.sync_copy(zbuf, sh_acc.at[pl.ds(s * _ZCH, _ZCH)])

        neg = jnp.full((16,), -jnp.inf, _F32)
        big16 = jnp.full((16,), 9999, _I32)

        def _row(r, carry):
            idx1v, idx2v = carry
            vs = [scr2[r, pl.ds(b, 16)] for b in _CHUNK_BASES]
            mv = vs[0]
            for v in vs[1:]:
                mv = jnp.maximum(mv, v)
            m1 = jnp.broadcast_to(jnp.max(mv), (16,))
            i1v = big16
            for b, v in zip(_CHUNK_BASES, vs):
                cand = jnp.where(v == m1, lanes + b, big16)
                i1v = jnp.minimum(i1v, cand)
            i1 = jnp.broadcast_to(jnp.min(i1v), (16,))
            mv2 = neg
            vs2 = []
            for b, v in zip(_CHUNK_BASES, vs):
                v2 = jnp.where(lanes + b == i1, neg, v)
                vs2.append(v2)
                mv2 = jnp.maximum(mv2, v2)
            m2 = jnp.broadcast_to(jnp.max(mv2), (16,))
            i2v = big16
            for b, v2 in zip(_CHUNK_BASES, vs2):
                cand = jnp.where(v2 == m2, lanes + b, big16)
                i2v = jnp.minimum(i2v, cand)
            i2 = jnp.broadcast_to(jnp.min(i2v), (16,))
            lane_r = (lanes == r)
            idx1v = jnp.where(lane_r, i1, idx1v)
            idx2v = jnp.where(lane_r, i2, idx2v)
            return idx1v, idx2v

        idx1v, idx2v = lax.fori_loop(
            0, _RPW, _row,
            (jnp.zeros((16,), _I32), jnp.zeros((16,), _I32)))

        valv = jnp.where(labv_ref[...] == idx1v,
                         jnp.full((16,), 1.0, _F32),
                         jnp.full((16,), 0.0, _F32))
        idx_stage[...] = labv_ref[...] * _C + idx2v
        val_stage[...] = valv

    plsc.subcore_barrier()

    @pl.when(c == 0)
    def _scatter():
        pltpu.sync_copy(val_stage, sh_acc.at[idx_stage], add=True)

    plsc.subcore_barrier()

    @pl.when((c == 0) & (s == 0))
    def _out():
        pltpu.sync_copy(sh_acc.at[pl.ds(0, _C * _C)], obuf)
        pltpu.sync_copy(obuf, out_hbm)


def _make_sc_simbatch():
    mesh = plsc.VectorSubcoreMesh(core_axis_name="c", subcore_axis_name="s")
    return pl.kernel(
        _sc_body, mesh=mesh,
        compiler_params=pltpu.CompilerParams(needs_layout_passes=False),
        out_type=jax.ShapeDtypeStruct((_C * _C,), _F32),
        scratch_types=[
            pltpu.VMEM((_RPW, _C), _F32),
            pltpu.VMEM((_RPW,), _I32),
            pltpu.VMEM((16,), _I32),
            pltpu.VMEM((16,), _F32),
            pltpu.VMEM((_ZCH,), _F32),
            pltpu.VMEM((_C * _C,), _F32),
            pltpu.VMEM_SHARED((_NW * _ZCH,), _F32),
        ],
    )


_sc_simbatch_cache = []


def kernel(predicts, labels, sim_all, epoch, T, mu, eta):
    if not _sc_simbatch_cache:
        _sc_simbatch_cache.append(_make_sc_simbatch())
    sc_simbatch = _sc_simbatch_cache[0]
    B, C = predicts.shape
    labi = labels.astype(_I32)
    simb = sc_simbatch(predicts.astype(_F32), labi)
    loss = _tc_loss(predicts, labels, sim_all, epoch, T, mu, eta)
    return loss, simb.reshape(C, C)

# --- scband reference (transcript-rebuilt; emitter-appended) ---
"""Pipeline reference for scband-isc-constraint-and-ic-loss-22677427323529 (READ-ONLY COPY).

The authoritative reference and input builder live on the scoring server;
editing this copy changes nothing except your own understanding.
"""

import jax, jax.numpy as jnp
import numpy as np


def _forward(predicts, labels, sim_all, epoch, T, mu, eta):
    eps = 1e-06
    p = jax.nn.softmax(predicts / T, axis=1)
    B, C = p.shape
    onehot = jnp.zeros((B, C), dtype=jnp.float32).at[jnp.arange(B), labels].set(1.0)
    _, top2 = jax.lax.top_k(p, 2)
    mask = (labels == top2[:, 0])
    if C <= 1:
        mask = jnp.zeros_like(mask)
    sim_batch = jnp.zeros((C, C), dtype=jnp.float32).at[labels, top2[:, 1]].add(mask.astype(jnp.float32))
    # pred[i, a, b] = p[a, i]; pred_T[i, a, b] = p[b, i]  (matches chunk/repeat/stack/permute)
    pred = jnp.broadcast_to(p.T[:, :, None], (C, B, B))
    pred_T = jnp.broadcast_to(p.T[:, None, :], (C, B, B))
    onehots = jnp.broadcast_to(onehot.T[:, :, None], (C, B, B))
    onehots_T = jnp.broadcast_to(onehot.T[:, None, :], (C, B, B))
    inter_parm = jnp.triu((onehots != onehots_T).astype(jnp.int32), k=1)
    lm = jnp.broadcast_to(labels[:, None], (B, B))
    lt = lm.T
    sim_b = sim_all[lm, lt]
    sim_b_diag = jnp.where(
        jnp.logical_or(epoch == 0, C == 1),
        jnp.triu(jnp.ones((B, B), dtype=jnp.float32)),
        jnp.triu(sim_b),
    )
    kl = pred * jnp.log(pred / (pred_T + eps) + eps)
    loss = jnp.sum(jnp.triu(kl, k=1), axis=0)
    IC_loss = jnp.sum(jnp.abs(loss * (lm == lt).astype(jnp.float32)))
    ISC = jnp.sum(jnp.abs(jnp.sum(jnp.triu(kl * inter_parm.astype(jnp.float32), k=1), axis=0) * sim_b_diag))
    same_count = jnp.sum(jnp.triu((lm == lt).astype(jnp.int32), k=1))
    diff_count = jnp.sum(jnp.triu((lm != lt).astype(jnp.int32), k=1))
    IC_loss = jnp.where(same_count != 0, IC_loss / same_count, IC_loss)
    ISC = jnp.where(diff_count != 0, ISC / diff_count, ISC)
    ISC = jnp.where(ISC != 0, 1.0 / (ISC + eps) * mu, ISC)
    IC_loss = IC_loss * eta
    return (IC_loss + ISC, sim_batch)


def setup_inputs(seed: int = 0):
    key = jax.random.key(seed)
    k1, k2, k3 = jax.random.split(key, 3)
    predicts = jax.random.normal(k1, (256, 100), dtype=jnp.float32)
    labels = jax.random.randint(k2, (256,), 0, 100, dtype=jnp.int32)
    sim_all = jax.random.uniform(k3, (100, 100), dtype=jnp.float32)
    return {"predicts": predicts, "labels": labels, "sim_all": sim_all, "epoch": 5, "T": 2.0, "mu": 0.5, "eta": 1.0}


def reference(predicts, labels, sim_all, epoch, T, mu, eta):
    return _forward(predicts, labels, sim_all, epoch, T, mu, eta)

if __name__ == "__main__":
    import jax
    _d = setup_inputs()
    print(jax.jit(kernel)(*tuple(_d.values())))

</pallas_src>

<mosaic_0001>
#map = affine_map<(d0, d1) -> (0, 0)>
#map1 = affine_map<(d0, d1) -> (0)>
module attributes {stable_mosaic.version = 14 : i64} {
  func.func @_sc_body(%arg0: i32, %arg1: i32, %arg2: memref<256x100xf32, #tpu.memory_space<hbm>>, %arg3: memref<256xi32, #tpu.memory_space<hbm>>, %arg4: memref<10000xf32, #tpu.memory_space<hbm>>, %arg5: memref<16x100xf32, #tpu.memory_space<vmem>>, %arg6: memref<16xi32, #tpu.memory_space<vmem>>, %arg7: memref<16xi32, #tpu.memory_space<vmem>>, %arg8: memref<16xf32, #tpu.memory_space<vmem>>, %arg9: memref<640xf32, #tpu.memory_space<vmem>>, %arg10: memref<10000xf32, #tpu.memory_space<vmem>>, %arg11: memref<10240xf32, #tpu.memory_space<vmem_shared>>) attributes {dimension_semantics = [#tpu.dimension_semantics<core_parallel>, #tpu.dimension_semantics<subcore_parallel>], iteration_bounds = array<i64: 2, 16>, scalar_prefetch = 0 : i64, scratch_operands = 7 : i64, tpu.core_type = #tpu.core_type<sc_vector_subcore>, window_params = [{transform_indices = #map}, {transform_indices = #map1}, {transform_indices = #map1}]} {
    %eq3A = arith.constant 0 : i32
    %eq3A_0 = arith.cmpi eq, %arg0, %eq3A : i32
    %convert_element_type3A = arith.extui %eq3A_0 : i1 to i32
    %cond3A = arith.constant 0 : i32
    %cond3A_1 = arith.cmpi ne, %convert_element_type3A, %cond3A : i32
    scf.if %cond3A_1 {
      %iota3A = tpu.iota {dimensions = array<i32: 0>} : vector<16xi32>
      %mul3A = arith.constant 16 : i32
      %mul3A_15 = arith.muli %arg1, %mul3A : i32
      "tpu.region"() ({
        %run_scoped3A = tpu.sem_alloc : memref<!tpu.dma_semaphore, #tpu.memory_space<semaphore_mem>>
        %dma_start3A = arith.constant 0 : i32
        %dma_start3A_128 = tpu.memref_slice %arg2[%mul3A_15, %dma_start3A] : memref<256x100xf32, #tpu.memory_space<hbm>> -> memref<16x100xf32, #tpu.memory_space<hbm>>
        %dma_start3A_129 = arith.constant 0 : i32
        %dma_start3A_130 = tpu.memref_slice %arg2[%mul3A_15, %dma_start3A_129] : memref<256x100xf32, #tpu.memory_space<hbm>> -> memref<16x100xf32, #tpu.memory_space<hbm>>
        tpu.enqueue_dma source(%dma_start3A_130 : memref<16x100xf32, #tpu.memory_space<hbm>>) target(%arg5 : memref<16x100xf32, #tpu.memory_space<vmem>>) target_semaphore(%run_scoped3A : memref<!tpu.dma_semaphore, #tpu.memory_space<semaphore_mem>>)
        %dma_wait3A = arith.constant 0 : i32
        %dma_wait3A_131 = tpu.memref_slice %arg2[%mul3A_15, %dma_wait3A] : memref<256x100xf32, #tpu.memory_space<hbm>> -> memref<16x100xf32, #tpu.memory_space<hbm>>
        %dma_wait3A_132 = arith.constant 0 : i32
        %dma_wait3A_133 = tpu.memref_slice %arg2[%mul3A_15, %dma_wait3A_132] : memref<256x100xf32, #tpu.memory_space<hbm>> -> memref<16x100xf32, #tpu.memory_space<hbm>>
        tpu.wait_dma2 semaphore(%run_scoped3A : memref<!tpu.dma_semaphore, #tpu.memory_space<semaphore_mem>>) src(%dma_wait3A_133 : memref<16x100xf32, #tpu.memory_space<hbm>>) dst(%arg5 : memref<16x100xf32, #tpu.memory_space<vmem>>)
        tpu.yield
      }) : () -> ()
      %mul3A_16 = arith.constant 16 : i32
      %mul3A_17 = arith.muli %arg1, %mul3A_16 : i32
      "tpu.region"() ({
        %run_scoped3A = tpu.sem_alloc : memref<!tpu.dma_semaphore, #tpu.memory_space<semaphore_mem>>
        %dma_start3A = tpu.memref_slice %arg3[%mul3A_17] : memref<256xi32, #tpu.memory_space<hbm>> -> memref<16xi32, #tpu.memory_space<hbm>>
        %dma_start3A_128 = tpu.memref_slice %arg3[%mul3A_17] : memref<256xi32, #tpu.memory_space<hbm>> -> memref<16xi32, #tpu.memory_space<hbm>>
        tpu.enqueue_dma source(%dma_start3A_128 : memref<16xi32, #tpu.memory_space<hbm>>) target(%arg6 : memref<16xi32, #tpu.memory_space<vmem>>) target_semaphore(%run_scoped3A : memref<!tpu.dma_semaphore, #tpu.memory_space<semaphore_mem>>)
        %dma_wait3A = tpu.memref_slice %arg3[%mul3A_17] : memref<256xi32, #tpu.memory_space<hbm>> -> memref<16xi32, #tpu.memory_space<hbm>>
        %dma_wait3A_129 = tpu.memref_slice %arg3[%mul3A_17] : memref<256xi32, #tpu.memory_space<hbm>> -> memref<16xi32, #tpu.memory_space<hbm>>
        tpu.wait_dma2 semaphore(%run_scoped3A : memref<!tpu.dma_semaphore, #tpu.memory_space<semaphore_mem>>) src(%dma_wait3A_129 : memref<16xi32, #tpu.memory_space<hbm>>) dst(%arg6 : memref<16xi32, #tpu.memory_space<vmem>>)
        tpu.yield
      }) : () -> ()
      %broadcast_in_dim3A = arith.constant 0.000000e+00 : f32
      %broadcast_in_dim3A_18 = vector.broadcast %broadcast_in_dim3A : f32 to vector<16xf32>
      %swap3A = arith.constant 0 : index
      %swap3A_19 = tpu.vector_load %arg9[%swap3A] {strides = array<i32>} : memref<640xf32, #tpu.memory_space<vmem>>, vector<16xf32>,
      tpu.vector_store %arg9[%swap3A], %broadcast_in_dim3A_18 {strides = array<i32>} : memref<640xf32, #tpu.memory_space<vmem>>, vector<16xf32>,
      %swap3A_20 = arith.constant 16 : index
      %swap3A_21 = tpu.vector_load %arg9[%swap3A_20] {strides = array<i32>} : memref<640xf32, #tpu.memory_space<vmem>>, vector<16xf32>,
      tpu.vector_store %arg9[%swap3A_20], %broadcast_in_dim3A_18 {strides = array<i32>} : memref<640xf32, #tpu.memory_space<vmem>>, vector<16xf32>,
      %swap3A_22 = arith.constant 32 : index
      %swap3A_23 = tpu.vector_load %arg9[%swap3A_22] {strides = array<i32>} : memref<640xf32, #tpu.memory_space<vmem>>, vector<16xf32>,
      tpu.vector_store %arg9[%swap3A_22], %broadcast_in_dim3A_18 {strides = array<i32>} : memref<640xf32, #tpu.memory_space<vmem>>, vector<16xf32>,
      %swap3A_24 = arith.constant 48 : index
      %swap3A_25 = tpu.vector_load %arg9[%swap3A_24] {strides = array<i32>} : memref<640xf32, #tpu.memory_space<vmem>>, vector<16xf32>,
      tpu.vector_store %arg9[%swap3A_24], %broadcast_in_dim3A_18 {strides = array<i32>} : memref<640xf32, #tpu.memory_space<vmem>>, vector<16xf32>,
      %swap3A_26 = arith.constant 64 : index
      %swap3A_27 = tpu.vector_load %arg9[%swap3A_26] {strides = array<i32>} : memref<640xf32, #tpu.memory_space<vmem>>, vector<16xf32>,
      tpu.vector_store %arg9[%swap3A_26], %broadcast_in_dim3A_18 {strides = array<i32>} : memref<640xf32, #tpu.memory_space<vmem>>, vector<16xf32>,
      %swap3A_28 = arith.constant 80 : index
      %swap3A_29 = tpu.vector_load %arg9[%swap3A_28] {strides = array<i32>} : memref<640xf32, #tpu.memory_space<vmem>>, vector<16xf32>,
      tpu.vector_store %arg9[%swap3A_28], %broadcast_in_dim3A_18 {strides = array<i32>} : memref<640xf32, #tpu.memory_space<vmem>>, vector<16xf32>,
      %swap3A_30 = arith.constant 96 : index
      %swap3A_31 = tpu.vector_load %arg9[%swap3A_30] {strides = array<i32>} : memref<640xf32, #tpu.memory_space<vmem>>, vector<16xf32>,
      tpu.vector_store %arg9[%swap3A_30], %broadcast_in_dim3A_18 {strides = array<i32>} : memref<640xf32, #tpu.memory_space<vmem>>, vector<16xf32>,
      %swap3A_32 = arith.constant 112 : index
      %swap3A_33 = tpu.vector_load %arg9[%swap3A_32] {strides = array<i32>} : memref<640xf32, #tpu.memory_space<vmem>>, vector<16xf32>,
      tpu.vector_store %arg9[%swap3A_32], %broadcast_in_dim3A_18 {strides = array<i32>} : memref<640xf32, #tpu.memory_space<vmem>>, vector<16xf32>,
      %swap3A_34 = arith.constant 128 : index
      %swap3A_35 = tpu.vector_load %arg9[%swap3A_34] {strides = array<i32>} : memref<640xf32, #tpu.memory_space<vmem>>, vector<16xf32>,
      tpu.vector_store %arg9[%swap3A_34], %broadcast_in_dim3A_18 {strides = array<i32>} : memref<640xf32, #tpu.memory_space<vmem>>, vector<16xf32>,
      %swap3A_36 = arith.constant 144 : index
      %swap3A_37 = tpu.vector_load %arg9[%swap3A_36] {strides = array<i32>} : memref<640xf32, #tpu.memory_space<vmem>>, vector<16xf32>,
      tpu.vector_store %arg9[%swap3A_36], %broadcast_in_dim3A_18 {strides = array<i32>} : memref<640xf32, #tpu.memory_space<vmem>>, vector<16xf32>,
      %swap3A_38 = arith.constant 160 : index
      %swap3A_39 = tpu.vector_load %arg9[%swap3A_38] {strides = array<i32>} : memref<640xf32, #tpu.memory_space<vmem>>, vector<16xf32>,
      tpu.vector_store %arg9[%swap3A_38], %broadcast_in_dim3A_18 {strides = array<i32>} : memref<640xf32, #tpu.memory_space<vmem>>, vector<16xf32>,
      %swap3A_40 = arith.constant 176 : index
      %swap3A_41 = tpu.vector_load %arg9[%swap3A_40] {strides = array<i32>} : memref<640xf32, #tpu.memory_space<vmem>>, vector<16xf32>,
      tpu.vector_store %arg9[%swap3A_40], %broadcast_in_dim3A_18 {strides = array<i32>} : memref<640xf32, #tpu.memory_space<vmem>>, vector<16xf32>,
      %swap3A_42 = arith.constant 192 : index
      %swap3A_43 = tpu.vector_load %arg9[%swap3A_42] {strides = array<i32>} : memref<640xf32, #tpu.memory_space<vmem>>, vector<16xf32>,
      tpu.vector_store %arg9[%swap3A_42], %broadcast_in_dim3A_18 {strides = array<i32>} : memref<640xf32, #tpu.memory_space<vmem>>, vector<16xf32>,
      %swap3A_44 = arith.constant 208 : index
      %swap3A_45 = tpu.vector_load %arg9[%swap3A_44] {strides = array<i32>} : memref<640xf32, #tpu.memory_space<vmem>>, vector<16xf32>,
      tpu.vector_store %arg9[%swap3A_44], %broadcast_in_dim3A_18 {strides = array<i32>} : memref<640xf32, #tpu.memory_space<vmem>>, vector<16xf32>,
      %swap3A_46 = arith.constant 224 : index
      %swap3A_47 = tpu.vector_load %arg9[%swap3A_46] {strides = array<i32>} : memref<640xf32, #tpu.memory_space<vmem>>, vector<16xf32>,
      tpu.vector_store %arg9[%swap3A_46], %broadcast_in_dim3A_18 {strides = array<i32>} : memref<640xf32, #tpu.memory_space<vmem>>, vector<16xf32>,
      %swap3A_48 = arith.constant 240 : index
      %swap3A_49 = tpu.vector_load %arg9[%swap3A_48] {strides = array<i32>} : memref<640xf32, #tpu.memory_space<vmem>>, vector<16xf32>,
      tpu.vector_store %arg9[%swap3A_48], %broadcast_in_dim3A_18 {strides = array<i32>} : memref<640xf32, #tpu.memory_space<vmem>>, vector<16xf32>,
      %swap3A_50 = arith.constant 256 : index
      %swap3A_51 = tpu.vector_load %arg9[%swap3A_50] {strides = array<i32>} : memref<640xf32, #tpu.memory_space<vmem>>, vector<16xf32>,
      tpu.vector_store %arg9[%swap3A_50], %broadcast_in_dim3A_18 {strides = array<i32>} : memref<640xf32, #tpu.memory_space<vmem>>, vector<16xf32>,
      %swap3A_52 = arith.constant 272 : index
      %swap3A_53 = tpu.vector_load %arg9[%swap3A_52] {strides = array<i32>} : memref<640xf32, #tpu.memory_space<vmem>>, vector<16xf32>,
      tpu.vector_store %arg9[%swap3A_52], %broadcast_in_dim3A_18 {strides = array<i32>} : memref<640xf32, #tpu.memory_space<vmem>>, vector<16xf32>,
      %swap3A_54 = arith.constant 288 : index
      %swap3A_55 = tpu.vector_load %arg9[%swap3A_54] {strides = array<i32>} : memref<640xf32, #tpu.memory_space<vmem>>, vector<16xf32>,
      tpu.vector_store %arg9[%swap3A_54], %broadcast_in_dim3A_18 {strides = array<i32>} : memref<640xf32, #tpu.memory_space<vmem>>, vector<16xf32>,
      %swap3A_56 = arith.constant 304 : index
      %swap3A_57 = tpu.vector_load %arg9[%swap3A_56] {strides = array<i32>} : memref<640xf32, #tpu.memory_space<vmem>>, vector<16xf32>,
      tpu.vector_store %arg9[%swap3A_56], %broadcast_in_dim3A_18 {strides = array<i32>} : memref<640xf32, #tpu.memory_space<vmem>>, vector<16xf32>,
      %swap3A_58 = arith.constant 320 : index
      %swap3A_59 = tpu.vector_load %arg9[%swap3A_58] {strides = array<i32>} : memref<640xf32, #tpu.memory_space<vmem>>, vector<16xf32>,
      tpu.vector_store %arg9[%swap3A_58], %broadcast_in_dim3A_18 {strides = array<i32>} : memref<640xf32, #tpu.memory_space<vmem>>, vector<16xf32>,
      %swap3A_60 = arith.constant 336 : index
      %swap3A_61 = tpu.vector_load %arg9[%swap3A_60] {strides = array<i32>} : memref<640xf32, #tpu.memory_space<vmem>>, vector<16xf32>,
      tpu.vector_store %arg9[%swap3A_60], %broadcast_in_dim3A_18 {strides = array<i32>} : memref<640xf32, #tpu.memory_space<vmem>>, vector<16xf32>,
      %swap3A_62 = arith.constant 352 : index
      %swap3A_63 = tpu.vector_load %arg9[%swap3A_62] {strides = array<i32>} : memref<640xf32, #tpu.memory_space<vmem>>, vector<16xf32>,
      tpu.vector_store %arg9[%swap3A_62], %broadcast_in_dim3A_18 {strides = array<i32>} : memref<640xf32, #tpu.memory_space<vmem>>, vector<16xf32>,
      %swap3A_64 = arith.constant 368 : index
      %swap3A_65 = tpu.vector_load %arg9[%swap3A_64] {strides = array<i32>} : memref<640xf32, #tpu.memory_space<vmem>>, vector<16xf32>,
      tpu.vector_store %arg9[%swap3A_64], %broadcast_in_dim3A_18 {strides = array<i32>} : memref<640xf32, #tpu.memory_space<vmem>>, vector<16xf32>,
      %swap3A_66 = arith.constant 384 : index
      %swap3A_67 = tpu.vector_load %arg9[%swap3A_66] {strides = array<i32>} : memref<640xf32, #tpu.memory_space<vmem>>, vector<16xf32>,
      tpu.vector_store %arg9[%swap3A_66], %broadcast_in_dim3A_18 {strides = array<i32>} : memref<640xf32, #tpu.memory_space<vmem>>, vector<16xf32>,
      %swap3A_68 = arith.constant 400 : index
      %swap3A_69 = tpu.vector_load %arg9[%swap3A_68] {strides = array<i32>} : memref<640xf32, #tpu.memory_space<vmem>>, vector<16xf32>,
      tpu.vector_store %arg9[%swap3A_68], %broadcast_in_dim3A_18 {strides = array<i32>} : memref<640xf32, #tpu.memory_space<vmem>>, vector<16xf32>,
      %swap3A_70 = arith.constant 416 : index
      %swap3A_71 = tpu.vector_load %arg9[%swap3A_70] {strides = array<i32>} : memref<640xf32, #tpu.memory_space<vmem>>, vector<16xf32>,
      tpu.vector_store %arg9[%swap3A_70], %broadcast_in_dim3A_18 {strides = array<i32>} : memref<640xf32, #tpu.memory_space<vmem>>, vector<16xf32>,
      %swap3A_72 = arith.constant 432 : index
      %swap3A_73 = tpu.vector_load %arg9[%swap3A_72] {strides = array<i32>} : memref<640xf32, #tpu.memory_space<vmem>>, vector<16xf32>,
      tpu.vector_store %arg9[%swap3A_72], %broadcast_in_dim3A_18 {strides = array<i32>} : memref<640xf32, #tpu.memory_space<vmem>>, vector<16xf32>,
      %swap3A_74 = arith.constant 448 : index
      %swap3A_75 = tpu.vector_load %arg9[%swap3A_74] {strides = array<i32>} : memref<640xf32, #tpu.memory_space<vmem>>, vector<16xf32>,
      tpu.vector_store %arg9[%swap3A_74], %broadcast_in_dim3A_18 {strides = array<i32>} : memref<640xf32, #tpu.memory_space<vmem>>, vector<16xf32>,
      %swap3A_76 = arith.constant 464 : index
      %swap3A_77 = tpu.vector_load %arg9[%swap3A_76] {strides = array<i32>} : memref<640xf32, #tpu.memory_space<vmem>>, vector<16xf32>,
      tpu.vector_store %arg9[%swap3A_76], %broadcast_in_dim3A_18 {strides = array<i32>} : memref<640xf32, #tpu.memory_space<vmem>>, vector<16xf32>,
      %swap3A_78 = arith.constant 480 : index
      %swap3A_79 = tpu.vector_load %arg9[%swap3A_78] {strides = array<i32>} : memref<640xf32, #tpu.memory_space<vmem>>, vector<16xf32>,
      tpu.vector_store %arg9[%swap3A_78], %broadcast_in_dim3A_18 {strides = array<i32>} : memref<640xf32, #tpu.memory_space<vmem>>, vector<16xf32>,
      %swap3A_80 = arith.constant 496 : index
      %swap3A_81 = tpu.vector_load %arg9[%swap3A_80] {strides = array<i32>} : memref<640xf32, #tpu.memory_space<vmem>>, vector<16xf32>,
      tpu.vector_store %arg9[%swap3A_80], %broadcast_in_dim3A_18 {strides = array<i32>} : memref<640xf32, #tpu.memory_space<vmem>>, vector<16xf32>,
      %swap3A_82 = arith.constant 512 : index
      %swap3A_83 = tpu.vector_load %arg9[%swap3A_82] {strides = array<i32>} : memref<640xf32, #tpu.memory_space<vmem>>, vector<16xf32>,
      tpu.vector_store %arg9[%swap3A_82], %broadcast_in_dim3A_18 {strides = array<i32>} : memref<640xf32, #tpu.memory_space<vmem>>, vector<16xf32>,
      %swap3A_84 = arith.constant 528 : index
      %swap3A_85 = tpu.vector_load %arg9[%swap3A_84] {strides = array<i32>} : memref<640xf32, #tpu.memory_space<vmem>>, vector<16xf32>,
      tpu.vector_store %arg9[%swap3A_84], %broadcast_in_dim3A_18 {strides = array<i32>} : memref<640xf32, #tpu.memory_space<vmem>>, vector<16xf32>,
      %swap3A_86 = arith.constant 544 : index
      %swap3A_87 = tpu.vector_load %arg9[%swap3A_86] {strides = array<i32>} : memref<640xf32, #tpu.memory_space<vmem>>, vector<16xf32>,
      tpu.vector_store %arg9[%swap3A_86], %broadcast_in_dim3A_18 {strides = array<i32>} : memref<640xf32, #tpu.memory_space<vmem>>, vector<16xf32>,
      %swap3A_88 = arith.constant 560 : index
      %swap3A_89 = tpu.vector_load %arg9[%swap3A_88] {strides = array<i32>} : memref<640xf32, #tpu.memory_space<vmem>>, vector<16xf32>,
      tpu.vector_store %arg9[%swap3A_88], %broadcast_in_dim3A_18 {strides = array<i32>} : memref<640xf32, #tpu.memory_space<vmem>>, vector<16xf32>,
      %swap3A_90 = arith.constant 576 : index
      %swap3A_91 = tpu.vector_load %arg9[%swap3A_90] {strides = array<i32>} : memref<640xf32, #tpu.memory_space<vmem>>, vector<16xf32>,
      tpu.vector_store %arg9[%swap3A_90], %broadcast_in_dim3A_18 {strides = array<i32>} : memref<640xf32, #tpu.memory_space<vmem>>, vector<16xf32>,
      %swap3A_92 = arith.constant 592 : index
      %swap3A_93 = tpu.vector_load %arg9[%swap3A_92] {strides = array<i32>} : memref<640xf32, #tpu.memory_space<vmem>>, vector<16xf32>,
      tpu.vector_store %arg9[%swap3A_92], %broadcast_in_dim3A_18 {strides = array<i32>} : memref<640xf32, #tpu.memory_space<vmem>>, vector<16xf32>,
      %swap3A_94 = arith.constant 608 : index
      %swap3A_95 = tpu.vector_load %arg9[%swap3A_94] {strides = array<i32>} : memref<640xf32, #tpu.memory_space<vmem>>, vector<16xf32>,
      tpu.vector_store %arg9[%swap3A_94], %broadcast_in_dim3A_18 {strides = array<i32>} : memref<640xf32, #tpu.memory_space<vmem>>, vector<16xf32>,
      %swap3A_96 = arith.constant 624 : index
      %swap3A_97 = tpu.vector_load %arg9[%swap3A_96] {strides = array<i32>} : memref<640xf32, #tpu.memory_space<vmem>>, vector<16xf32>,
      tpu.vector_store %arg9[%swap3A_96], %broadcast_in_dim3A_18 {strides = array<i32>} : memref<640xf32, #tpu.memory_space<vmem>>, vector<16xf32>,
      %mul3A_98 = arith.constant 640 : i32
      %mul3A_99 = arith.muli %arg1, %mul3A_98 : i32
      "tpu.region"() ({
        %run_scoped3A = tpu.sem_alloc : memref<!tpu.dma_semaphore, #tpu.memory_space<semaphore_mem>>
        %dma_start3A = tpu.memref_slice %arg11[%mul3A_99] : memref<10240xf32, #tpu.memory_space<vmem_shared>> -> memref<640xf32, #tpu.memory_space<vmem_shared>>
        %dma_start3A_128 = tpu.memref_slice %arg11[%mul3A_99] : memref<10240xf32, #tpu.memory_space<vmem_shared>> -> memref<640xf32, #tpu.memory_space<vmem_shared>>
        tpu.enqueue_dma source(%arg9 : memref<640xf32, #tpu.memory_space<vmem>>) target(%dma_start3A_128 : memref<640xf32, #tpu.memory_space<vmem_shared>>) target_semaphore(%run_scoped3A : memref<!tpu.dma_semaphore, #tpu.memory_space<semaphore_mem>>)
        %dma_wait3A = tpu.memref_slice %arg11[%mul3A_99] : memref<10240xf32, #tpu.memory_space<vmem_shared>> -> memref<640xf32, #tpu.memory_space<vmem_shared>>
        %dma_wait3A_129 = tpu.memref_slice %arg11[%mul3A_99] : memref<10240xf32, #tpu.memory_space<vmem_shared>> -> memref<640xf32, #tpu.memory_space<vmem_shared>>
        tpu.wait_dma2 semaphore(%run_scoped3A : memref<!tpu.dma_semaphore, #tpu.memory_space<semaphore_mem>>) src(%arg9 : memref<640xf32, #tpu.memory_space<vmem>>) dst(%dma_wait3A_129 : memref<640xf32, #tpu.memory_space<vmem_shared>>)
        tpu.yield
      }) : () -> ()
      %broadcast_in_dim3A_100 = arith.constant 0xFF800000 : f32
      %broadcast_in_dim3A_101 = vector.broadcast %broadcast_in_dim3A_100 : f32 to vector<16xf32>
      %broadcast_in_dim3A_102 = arith.constant 9999 : i32
      %broadcast_in_dim3A_103 = vector.broadcast %broadcast_in_dim3A_102 : i32 to vector<16xi32>
      %broadcast_in_dim3A_104 = arith.constant 0 : i32
      %broadcast_in_dim3A_105 = vector.broadcast %broadcast_in_dim3A_104 : i32 to vector<16xi32>
      %broadcast_in_dim3A_106 = arith.constant 0 : i32
      %broadcast_in_dim3A_107 = vector.broadcast %broadcast_in_dim3A_106 : i32 to vector<16xi32>
      %scan3A = arith.constant 0 : i32
      %scan3A_108 = arith.constant 16 : i32
      %scan3A_109 = arith.addi %scan3A, %scan3A_108 : i32
      %scan3A_110 = arith.constant 1 : i32
      %scan3A_111:2 = scf.for %scan3A_128 = %scan3A to %scan3A_109 step %scan3A_110 iter_args(%scan3A_129 = %broadcast_in_dim3A_105, %scan3A_130 = %broadcast_in_dim3A_107) -> (vector<16xi32>, vector<16xi32>)  : i32 {
        %get3A_131 = arith.index_cast %scan3A_128 : i32 to index
        %get3A_132 = arith.constant 0 : index
        %get3A_133 = tpu.vector_load %arg5[%get3A_131, %get3A_132] {strides = array<i32>} : memref<16x100xf32, #tpu.memory_space<vmem>>, vector<16xf32>,
        %get3A_134 = arith.index_cast %scan3A_128 : i32 to index
        %get3A_135 = arith.constant 16 : index
        %get3A_136 = tpu.vector_load %arg5[%get3A_134, %get3A_135] {strides = array<i32>} : memref<16x100xf32, #tpu.memory_space<vmem>>, vector<16xf32>,
        %get3A_137 = arith.index_cast %scan3A_128 : i32 to index
        %get3A_138 = arith.constant 32 : index
        %get3A_139 = tpu.vector_load %arg5[%get3A_137, %get3A_138] {strides = array<i32>} : memref<16x100xf32, #tpu.memory_space<vmem>>, vector<16xf32>,
        %get3A_140 = arith.index_cast %scan3A_128 : i32 to index
        %get3A_141 = arith.constant 48 : index
        %get3A_142 = tpu.vector_load %arg5[%get3A_140, %get3A_141] {strides = array<i32>} : memref<16x100xf32, #tpu.memory_space<vmem>>, vector<16xf32>,
        %get3A_143 = arith.index_cast %scan3A_128 : i32 to index
        %get3A_144 = arith.constant 64 : index
        %get3A_145 = tpu.vector_load %arg5[%get3A_143, %get3A_144] {strides = array<i32>} : memref<16x100xf32, #tpu.memory_space<vmem>>, vector<16xf32>,
        %get3A_146 = arith.index_cast %scan3A_128 : i32 to index
        %get3A_147 = arith.constant 80 : index
        %get3A_148 = tpu.vector_load %arg5[%get3A_146, %get3A_147] {strides = array<i32>} : memref<16x100xf32, #tpu.memory_space<vmem>>, vector<16xf32>,
        %get3A_149 = arith.index_cast %scan3A_128 : i32 to index
        %get3A_150 = arith.constant 84 : index
        %get3A_151 = tpu.vector_load %arg5[%get3A_149, %get3A_150] {strides = array<i32>} : memref<16x100xf32, #tpu.memory_space<vmem>>, vector<16xf32>,
        %max3A = arith.maximumf %get3A_133, %get3A_136 : vector<16xf32>
        %max3A_152 = arith.maximumf %max3A, %get3A_139 : vector<16xf32>
        %max3A_153 = arith.maximumf %max3A_152, %get3A_142 : vector<16xf32>
        %max3A_154 = arith.maximumf %max3A_153, %get3A_145 : vector<16xf32>
        %max3A_155 = arith.maximumf %max3A_154, %get3A_148 : vector<16xf32>
        %max3A_156 = arith.maximumf %max3A_155, %get3A_151 : vector<16xf32>
        %reduce_max3A = arith.constant true
        %reduce_max3A_157 = vector.broadcast %reduce_max3A : i1 to vector<16xi1>
        %reduce_max3A_158 = tpu.scan <max>, %max3A_156 masked %reduce_max3A_157 : vector<16xf32>, vector<16xi1> -> vector<16xf32>
        %reduce_max3A_159 = vector.extract %reduce_max3A_158[15] : f32 from vector<16xf32>
        %broadcast_in_dim3A_160 = vector.broadcast %reduce_max3A_159 : f32 to vector<16xf32>
        %eq3A_161 = arith.cmpf oeq, %get3A_133, %broadcast_in_dim3A_160 : vector<16xf32>
        %add3A_162 = arith.constant 0 : i32
        %add3A_163 = vector.broadcast %add3A_162 : i32 to vector<16xi32>
        %add3A_164 = arith.addi %iota3A, %add3A_163 : vector<16xi32>
        %select_n3A_165 = arith.select %eq3A_161, %add3A_164, %broadcast_in_dim3A_103 : vector<16xi1>, vector<16xi32>
        %min3A = arith.minsi %broadcast_in_dim3A_103, %select_n3A_165 : vector<16xi32>
        %eq3A_166 = arith.cmpf oeq, %get3A_136, %broadcast_in_dim3A_160 : vector<16xf32>
        %add3A_167 = arith.constant 16 : i32
        %add3A_168 = vector.broadcast %add3A_167 : i32 to vector<16xi32>
        %add3A_169 = arith.addi %iota3A, %add3A_168 : vector<16xi32>
        %select_n3A_170 = arith.select %eq3A_166, %add3A_169, %broadcast_in_dim3A_103 : vector<16xi1>, vector<16xi32>
        %min3A_171 = arith.minsi %min3A, %select_n3A_170 : vector<16xi32>
        %eq3A_172 = arith.cmpf oeq, %get3A_139, %broadcast_in_dim3A_160 : vector<16xf32>
        %add3A_173 = arith.constant 32 : i32
        %add3A_174 = vector.broadcast %add3A_173 : i32 to vector<16xi32>
        %add3A_175 = arith.addi %iota3A, %add3A_174 : vector<16xi32>
        %select_n3A_176 = arith.select %eq3A_172, %add3A_175, %broadcast_in_dim3A_103 : vector<16xi1>, vector<16xi32>
        %min3A_177 = arith.minsi %min3A_171, %select_n3A_176 : vector<16xi32>
        %eq3A_178 = arith.cmpf oeq, %get3A_142, %broadcast_in_dim3A_160 : vector<16xf32>
        %add3A_179 = arith.constant 48 : i32
        %add3A_180 = vector.broadcast %add3A_179 : i32 to vector<16xi32>
        %add3A_181 = arith.addi %iota3A, %add3A_180 : vector<16xi32>
        %select_n3A_182 = arith.select %eq3A_178, %add3A_181, %broadcast_in_dim3A_103 : vector<16xi1>, vector<16xi32>
        %min3A_183 = arith.minsi %min3A_177, %select_n3A_182 : vector<16xi32>
        %eq3A_184 = arith.cmpf oeq, %get3A_145, %broadcast_in_dim3A_160 : vector<16xf32>
        %add3A_185 = arith.constant 64 : i32
        %add3A_186 = vector.broadcast %add3A_185 : i32 to vector<16xi32>
        %add3A_187 = arith.addi %iota3A, %add3A_186 : vector<16xi32>
        %select_n3A_188 = arith.select %eq3A_184, %add3A_187, %broadcast_in_dim3A_103 : vector<16xi1>, vector<16xi32>
        %min3A_189 = arith.minsi %min3A_183, %select_n3A_188 : vector<16xi32>
        %eq3A_190 = arith.cmpf oeq, %get3A_148, %broadcast_in_dim3A_160 : vector<16xf32>
        %add3A_191 = arith.constant 80 : i32
        %add3A_192 = vector.broadcast %add3A_191 : i32 to vector<16xi32>
        %add3A_193 = arith.addi %iota3A, %add3A_192 : vector<16xi32>
        %select_n3A_194 = arith.select %eq3A_190, %add3A_193, %broadcast_in_dim3A_103 : vector<16xi1>, vector<16xi32>
        %min3A_195 = arith.minsi %min3A_189, %select_n3A_194 : vector<16xi32>
        %eq3A_196 = arith.cmpf oeq, %get3A_151, %broadcast_in_dim3A_160 : vector<16xf32>
        %add3A_197 = arith.constant 84 : i32
        %add3A_198 = vector.broadcast %add3A_197 : i32 to vector<16xi32>
        %add3A_199 = arith.addi %iota3A, %add3A_198 : vector<16xi32>
        %select_n3A_200 = arith.select %eq3A_196, %add3A_199, %broadcast_in_dim3A_103 : vector<16xi1>, vector<16xi32>
        %min3A_201 = arith.minsi %min3A_195, %select_n3A_200 : vector<16xi32>
        %reduce_min3A = arith.constant true
        %reduce_min3A_202 = vector.broadcast %reduce_min3A : i1 to vector<16xi1>
        %reduce_min3A_203 = arith.constant -2147483648 : i32
        %reduce_min3A_204 = vector.broadcast %reduce_min3A_203 : i32 to vector<16xi32>
        %reduce_min3A_205 = arith.xori %min3A_201, %reduce_min3A_204 : vector<16xi32>
        %reduce_min3A_206 = tpu.scan <min>, %reduce_min3A_205 masked %reduce_min3A_202 : vector<16xi32>, vector<16xi1> -> vector<16xi32>
        %reduce_min3A_207 = arith.xori %reduce_min3A_206, %reduce_min3A_204 : vector<16xi32>
        %reduce_min3A_208 = vector.extract %reduce_min3A_207[15] : i32 from vector<16xi32>
        %broadcast_in_dim3A_209 = vector.broadcast %reduce_min3A_208 : i32 to vector<16xi32>
        %add3A_210 = arith.constant 0 : i32
        %add3A_211 = vector.broadcast %add3A_210 : i32 to vector<16xi32>
        %add3A_212 = arith.addi %iota3A, %add3A_211 : vector<16xi32>
        %eq3A_213 = arith.cmpi eq, %add3A_212, %broadcast_in_dim3A_209 : vector<16xi32>
        %select_n3A_214 = arith.select %eq3A_213, %broadcast_in_dim3A_101, %get3A_133 : vector<16xi1>, vector<16xf32>
        %max3A_215 = arith.maximumf %broadcast_in_dim3A_101, %select_n3A_214 : vector<16xf32>
        %add3A_216 = arith.constant 16 : i32
        %add3A_217 = vector.broadcast %add3A_216 : i32 to vector<16xi32>
        %add3A_218 = arith.addi %iota3A, %add3A_217 : vector<16xi32>
        %eq3A_219 = arith.cmpi eq, %add3A_218, %broadcast_in_dim3A_209 : vector<16xi32>
        %select_n3A_220 = arith.select %eq3A_219, %broadcast_in_dim3A_101, %get3A_136 : vector<16xi1>, vector<16xf32>
        %max3A_221 = arith.maximumf %max3A_215, %select_n3A_220 : vector<16xf32>
        %add3A_222 = arith.constant 32 : i32
        %add3A_223 = vector.broadcast %add3A_222 : i32 to vector<16xi32>
        %add3A_224 = arith.addi %iota3A, %add3A_223 : vector<16xi32>
        %eq3A_225 = arith.cmpi eq, %add3A_224, %broadcast_in_dim3A_209 : vector<16xi32>
        %select_n3A_226 = arith.select %eq3A_225, %broadcast_in_dim3A_101, %get3A_139 : vector<16xi1>, vector<16xf32>
        %max3A_227 = arith.maximumf %max3A_221, %select_n3A_226 : vector<16xf32>
        %add3A_228 = arith.constant 48 : i32
        %add3A_229 = vector.broadcast %add3A_228 : i32 to vector<16xi32>
        %add3A_230 = arith.addi %iota3A, %add3A_229 : vector<16xi32>
        %eq3A_231 = arith.cmpi eq, %add3A_230, %broadcast_in_dim3A_209 : vector<16xi32>
        %select_n3A_232 = arith.select %eq3A_231, %broadcast_in_dim3A_101, %get3A_142 : vector<16xi1>, vector<16xf32>
        %max3A_233 = arith.maximumf %max3A_227, %select_n3A_232 : vector<16xf32>
        %add3A_234 = arith.constant 64 : i32
        %add3A_235 = vector.broadcast %add3A_234 : i32 to vector<16xi32>
        %add3A_236 = arith.addi %iota3A, %add3A_235 : vector<16xi32>
        %eq3A_237 = arith.cmpi eq, %add3A_236, %broadcast_in_dim3A_209 : vector<16xi32>
        %select_n3A_238 = arith.select %eq3A_237, %broadcast_in_dim3A_101, %get3A_145 : vector<16xi1>, vector<16xf32>
        %max3A_239 = arith.maximumf %max3A_233, %select_n3A_238 : vector<16xf32>
        %add3A_240 = arith.constant 80 : i32
        %add3A_241 = vector.broadcast %add3A_240 : i32 to vector<16xi32>
        %add3A_242 = arith.addi %iota3A, %add3A_241 : vector<16xi32>
        %eq3A_243 = arith.cmpi eq, %add3A_242, %broadcast_in_dim3A_209 : vector<16xi32>
        %select_n3A_244 = arith.select %eq3A_243, %broadcast_in_dim3A_101, %get3A_148 : vector<16xi1>, vector<16xf32>
        %max3A_245 = arith.maximumf %max3A_239, %select_n3A_244 : vector<16xf32>
        %add3A_246 = arith.constant 84 : i32
        %add3A_247 = vector.broadcast %add3A_246 : i32 to vector<16xi32>
        %add3A_248 = arith.addi %iota3A, %add3A_247 : vector<16xi32>
        %eq3A_249 = arith.cmpi eq, %add3A_248, %broadcast_in_dim3A_209 : vector<16xi32>
        %select_n3A_250 = arith.select %eq3A_249, %broadcast_in_dim3A_101, %get3A_151 : vector<16xi1>, vector<16xf32>
        %max3A_251 = arith.maximumf %max3A_245, %select_n3A_250 : vector<16xf32>
        %reduce_max3A_252 = arith.constant true
        %reduce_max3A_253 = vector.broadcast %reduce_max3A_252 : i1 to vector<16xi1>
        %reduce_max3A_254 = tpu.scan <max>, %max3A_251 masked %reduce_max3A_253 : vector<16xf32>, vector<16xi1> -> vector<16xf32>
        %reduce_max3A_255 = vector.extract %reduce_max3A_254[15] : f32 from vector<16xf32>
        %broadcast_in_dim3A_256 = vector.broadcast %reduce_max3A_255 : f32 to vector<16xf32>
        %eq3A_257 = arith.cmpf oeq, %select_n3A_214, %broadcast_in_dim3A_256 : vector<16xf32>
        %add3A_258 = arith.constant 0 : i32
        %add3A_259 = vector.broadcast %add3A_258 : i32 to vector<16xi32>
        %add3A_260 = arith.addi %iota3A, %add3A_259 : vector<16xi32>
        %select_n3A_261 = arith.select %eq3A_257, %add3A_260, %broadcast_in_dim3A_103 : vector<16xi1>, vector<16xi32>
        %min3A_262 = arith.minsi %broadcast_in_dim3A_103, %select_n3A_261 : vector<16xi32>
        %eq3A_263 = arith.cmpf oeq, %select_n3A_220, %broadcast_in_dim3A_256 : vector<16xf32>
        %add3A_264 = arith.constant 16 : i32
        %add3A_265 = vector.broadcast %add3A_264 : i32 to vector<16xi32>
        %add3A_266 = arith.addi %iota3A, %add3A_265 : vector<16xi32>
        %select_n3A_267 = arith.select %eq3A_263, %add3A_266, %broadcast_in_dim3A_103 : vector<16xi1>, vector<16xi32>
        %min3A_268 = arith.minsi %min3A_262, %select_n3A_267 : vector<16xi32>
        %eq3A_269 = arith.cmpf oeq, %select_n3A_226, %broadcast_in_dim3A_256 : vector<16xf32>
        %add3A_270 = arith.constant 32 : i32
        %add3A_271 = vector.broadcast %add3A_270 : i32 to vector<16xi32>
        %add3A_272 = arith.addi %iota3A, %add3A_271 : vector<16xi32>
        %select_n3A_273 = arith.select %eq3A_269, %add3A_272, %broadcast_in_dim3A_103 : vector<16xi1>, vector<16xi32>
        %min3A_274 = arith.minsi %min3A_268, %select_n3A_273 : vector<16xi32>
        %eq3A_275 = arith.cmpf oeq, %select_n3A_232, %broadcast_in_dim3A_256 : vector<16xf32>
        %add3A_276 = arith.constant 48 : i32
        %add3A_277 = vector.broadcast %add3A_276 : i32 to vector<16xi32>
        %add3A_278 = arith.addi %iota3A, %add3A_277 : vector<16xi32>
        %select_n3A_279 = arith.select %eq3A_275, %add3A_278, %broadcast_in_dim3A_103 : vector<16xi1>, vector<16xi32>
        %min3A_280 = arith.minsi %min3A_274, %select_n3A_279 : vector<16xi32>
        %eq3A_281 = arith.cmpf oeq, %select_n3A_238, %broadcast_in_dim3A_256 : vector<16xf32>
        %add3A_282 = arith.constant 64 : i32
        %add3A_283 = vector.broadcast %add3A_282 : i32 to vector<16xi32>
        %add3A_284 = arith.addi %iota3A, %add3A_283 : vector<16xi32>
        %select_n3A_285 = arith.select %eq3A_281, %add3A_284, %broadcast_in_dim3A_103 : vector<16xi1>, vector<16xi32>
        %min3A_286 = arith.minsi %min3A_280, %select_n3A_285 : vector<16xi32>
        %eq3A_287 = arith.cmpf oeq, %select_n3A_244, %broadcast_in_dim3A_256 : vector<16xf32>
        %add3A_288 = arith.constant 80 : i32
        %add3A_289 = vector.broadcast %add3A_288 : i32 to vector<16xi32>
        %add3A_290 = arith.addi %iota3A, %add3A_289 : vector<16xi32>
        %select_n3A_291 = arith.select %eq3A_287, %add3A_290, %broadcast_in_dim3A_103 : vector<16xi1>, vector<16xi32>
        %min3A_292 = arith.minsi %min3A_286, %select_n3A_291 : vector<16xi32>
        %eq3A_293 = arith.cmpf oeq, %select_n3A_250, %broadcast_in_dim3A_256 : vector<16xf32>
        %add3A_294 = arith.constant 84 : i32
        %add3A_295 = vector.broadcast %add3A_294 : i32 to vector<16xi32>
        %add3A_296 = arith.addi %iota3A, %add3A_295 : vector<16xi32>
        %select_n3A_297 = arith.select %eq3A_293, %add3A_296, %broadcast_in_dim3A_103 : vector<16xi1>, vector<16xi32>
        %min3A_298 = arith.minsi %min3A_292, %select_n3A_297 : vector<16xi32>
        %reduce_min3A_299 = arith.constant true
        %reduce_min3A_300 = vector.broadcast %reduce_min3A_299 : i1 to vector<16xi1>
        %reduce_min3A_301 = arith.constant -2147483648 : i32
        %reduce_min3A_302 = vector.broadcast %reduce_min3A_301 : i32 to vector<16xi32>
        %reduce_min3A_303 = arith.xori %min3A_298, %reduce_min3A_302 : vector<16xi32>
        %reduce_min3A_304 = tpu.scan <min>, %reduce_min3A_303 masked %reduce_min3A_300 : vector<16xi32>, vector<16xi1> -> vector<16xi32>
        %reduce_min3A_305 = arith.xori %reduce_min3A_304, %reduce_min3A_302 : vector<16xi32>
        %reduce_min3A_306 = vector.extract %reduce_min3A_305[15] : i32 from vector<16xi32>
        %broadcast_in_dim3A_307 = vector.broadcast %reduce_min3A_306 : i32 to vector<16xi32>
        %eq3A_308 = vector.broadcast %scan3A_128 : i32 to vector<16xi32>
        %eq3A_309 = arith.cmpi eq, %iota3A, %eq3A_308 : vector<16xi32>
        %select_n3A_310 = arith.select %eq3A_309, %broadcast_in_dim3A_209, %scan3A_129 : vector<16xi1>, vector<16xi32>
        %select_n3A_311 = arith.select %eq3A_309, %broadcast_in_dim3A_307, %scan3A_130 : vector<16xi1>, vector<16xi32>
        scf.yield %select_n3A_310, %select_n3A_311 : vector<16xi32>, vector<16xi32>
      }
      %scan3A_112 = arith.constant 16 : i32
      %get3A = arith.constant 0 : index
      %get3A_113 = tpu.vector_load %arg6[%get3A] {strides = array<i32>} : memref<16xi32, #tpu.memory_space<vmem>>, vector<16xi32>,
      %eq3A_114 = arith.cmpi eq, %get3A_113, %scan3A_111#0 : vector<16xi32>
      %broadcast_in_dim3A_115 = arith.constant 1.000000e+00 : f32
      %broadcast_in_dim3A_116 = vector.broadcast %broadcast_in_dim3A_115 : f32 to vector<16xf32>
      %broadcast_in_dim3A_117 = arith.constant 0.000000e+00 : f32
      %broadcast_in_dim3A_118 = vector.broadcast %broadcast_in_dim3A_117 : f32 to vector<16xf32>
      %select_n3A = arith.select %eq3A_114, %broadcast_in_dim3A_116, %broadcast_in_dim3A_118 : vector<16xi1>, vector<16xf32>
      %get3A_119 = arith.constant 0 : index
      %get3A_120 = tpu.vector_load %arg6[%get3A_119] {strides = array<i32>} : memref<16xi32, #tpu.memory_space<vmem>>, vector<16xi32>,
      %mul3A_121 = arith.constant 100 : i32
      %mul3A_122 = vector.broadcast %mul3A_121 : i32 to vector<16xi32>
      %mul3A_123 = arith.muli %get3A_120, %mul3A_122 : vector<16xi32>
      %add3A = arith.addi %mul3A_123, %scan3A_111#1 : vector<16xi32>
      %swap3A_124 = arith.constant 0 : index
      %swap3A_125 = tpu.vector_load %arg7[%swap3A_124] {strides = array<i32>} : memref<16xi32, #tpu.memory_space<vmem>>, vector<16xi32>,
      tpu.vector_store %arg7[%swap3A_124], %add3A {strides = array<i32>} : memref<16xi32, #tpu.memory_space<vmem>>, vector<16xi32>,
      %swap3A_126 = arith.constant 0 : index
      %swap3A_127 = tpu.vector_load %arg8[%swap3A_126] {strides = array<i32>} : memref<16xf32, #tpu.memory_space<vmem>>, vector<16xf32>,
      tpu.vector_store %arg8[%swap3A_126], %select_n3A {strides = array<i32>} : memref<16xf32, #tpu.memory_space<vmem>>, vector<16xf32>,
    } else {
    }
    %barrier3A = arith.constant 0 : index
    tpu.barrier barrier_id(%barrier3A)
    %eq3A_2 = arith.constant 0 : i32
    %eq3A_3 = arith.cmpi eq, %arg0, %eq3A_2 : i32
    %convert_element_type3A_4 = arith.extui %eq3A_3 : i1 to i32
    %cond3A_5 = arith.constant 0 : i32
    %cond3A_6 = arith.cmpi ne, %convert_element_type3A_4, %cond3A_5 : i32
    scf.if %cond3A_6 {
      "tpu.region"() ({
        %run_scoped3A = tpu.sem_alloc : memref<!tpu.dma_semaphore, #tpu.memory_space<semaphore_mem>>
        %dma_start3A = arith.constant 0 : i32
        %dma_start3A_15 = tpu.memref_slice %arg11[%dma_start3A] : memref<10240xf32, #tpu.memory_space<vmem_shared>> -> memref<10240xf32, #tpu.memory_space<vmem_shared>>
        tpu.enqueue_indirect_dma source(%arg8 : memref<16xf32, #tpu.memory_space<vmem>>) target(%dma_start3A_15 : memref<10240xf32, #tpu.memory_space<vmem_shared>>) offsets(%arg7 : memref<16xi32, #tpu.memory_space<vmem>>) semaphore(%run_scoped3A : memref<!tpu.dma_semaphore, #tpu.memory_space<semaphore_mem>>) {add = true}
        %dma_wait3A = arith.constant 0 : i32
        %dma_wait3A_16 = tpu.memref_slice %arg11[%dma_wait3A] : memref<10240xf32, #tpu.memory_space<vmem_shared>> -> memref<10240xf32, #tpu.memory_space<vmem_shared>>
        tpu.wait_indirect_dma semaphore(%run_scoped3A : memref<!tpu.dma_semaphore, #tpu.memory_space<semaphore_mem>>) src(%arg8 : memref<16xf32, #tpu.memory_space<vmem>>) dst(%dma_wait3A_16 : memref<10240xf32, #tpu.memory_space<vmem_shared>>)
        tpu.yield
      }) : () -> ()
    } else {
    }
    %barrier3A_7 = arith.constant 0 : index
    tpu.barrier barrier_id(%barrier3A_7)
    %eq3A_8 = arith.constant 0 : i32
    %eq3A_9 = arith.cmpi eq, %arg0, %eq3A_8 : i32
    %eq3A_10 = arith.constant 0 : i32
    %eq3A_11 = arith.cmpi eq, %arg1, %eq3A_10 : i32
    %and3A = arith.andi %eq3A_9, %eq3A_11 : i1
    %convert_element_type3A_12 = arith.extui %and3A : i1 to i32
    %cond3A_13 = arith.constant 0 : i32
    %cond3A_14 = arith.cmpi ne, %convert_element_type3A_12, %cond3A_13 : i32
    scf.if %cond3A_14 {
      "tpu.region"() ({
        %run_scoped3A = tpu.sem_alloc : memref<!tpu.dma_semaphore, #tpu.memory_space<semaphore_mem>>
        %dma_start3A = arith.constant 0 : i32
        %dma_start3A_15 = tpu.memref_slice %arg11[%dma_start3A] : memref<10240xf32, #tpu.memory_space<vmem_shared>> -> memref<10000xf32, #tpu.memory_space<vmem_shared>>
        %dma_start3A_16 = arith.constant 0 : i32
        %dma_start3A_17 = tpu.memref_slice %arg11[%dma_start3A_16] : memref<10240xf32, #tpu.memory_space<vmem_shared>> -> memref<10000xf32, #tpu.memory_space<vmem_shared>>
        tpu.enqueue_dma source(%dma_start3A_17 : memref<10000xf32, #tpu.memory_space<vmem_shared>>) target(%arg10 : memref<10000xf32, #tpu.memory_space<vmem>>) target_semaphore(%run_scoped3A : memref<!tpu.dma_semaphore, #tpu.memory_space<semaphore_mem>>)
        %dma_wait3A = arith.constant 0 : i32
        %dma_wait3A_18 = tpu.memref_slice %arg11[%dma_wait3A] : memref<10240xf32, #tpu.memory_space<vmem_shared>> -> memref<10000xf32, #tpu.memory_space<vmem_shared>>
        %dma_wait3A_19 = arith.constant 0 : i32
        %dma_wait3A_20 = tpu.memref_slice %arg11[%dma_wait3A_19] : memref<10240xf32, #tpu.memory_space<vmem_shared>> -> memref<10000xf32, #tpu.memory_space<vmem_shared>>
        tpu.wait_dma2 semaphore(%run_scoped3A : memref<!tpu.dma_semaphore, #tpu.memory_space<semaphore_mem>>) src(%dma_wait3A_20 : memref<10000xf32, #tpu.memory_space<vmem_shared>>) dst(%arg10 : memref<10000xf32, #tpu.memory_space<vmem>>)
        tpu.yield
      }) : () -> ()
      "tpu.region"() ({
        %run_scoped3A = tpu.sem_alloc : memref<!tpu.dma_semaphore, #tpu.memory_space<semaphore_mem>>
        tpu.enqueue_dma source(%arg10 : memref<10000xf32, #tpu.memory_space<vmem>>) target(%arg4 : memref<10000xf32, #tpu.memory_space<hbm>>) target_semaphore(%run_scoped3A : memref<!tpu.dma_semaphore, #tpu.memory_space<semaphore_mem>>)
        tpu.wait_dma2 semaphore(%run_scoped3A : memref<!tpu.dma_semaphore, #tpu.memory_space<semaphore_mem>>) src(%arg10 : memref<10000xf32, #tpu.memory_space<vmem>>) dst(%arg4 : memref<10000xf32, #tpu.memory_space<hbm>>)
        tpu.yield
      }) : () -> ()
    } else {
    }
    return
  }
}

module attributes {stable_mosaic.version = 14 : i64} {
  func.func @_tc_body(%arg0: memref<1x1xf32, #tpu.memory_space<smem>>, %arg1: memref<1x1xf32, #tpu.memory_space<smem>>, %arg2: memref<1x1xf32, #tpu.memory_space<smem>>, %arg3: memref<1x1xi32, #tpu.memory_space<smem>>, %arg4: memref<256x100xf32, #tpu.memory_space<vmem>>, %arg5: memref<1x256xi32, #tpu.memory_space<vmem>>, %arg6: memref<100x100xf32, #tpu.memory_space<vmem>>, %arg7: memref<1x1xf32, #tpu.memory_space<vmem>>) attributes {dimension_semantics = [], scalar_prefetch = 0 : i64, scratch_operands = 0 : i64, tpu.core_type = #tpu.core_type<tc>} {
    %get3A = arith.constant 0 : index
    %get3A_0 = arith.constant 0 : index
    %get3A_1 = memref.load %arg0[%get3A, %get3A_0] : memref<1x1xf32, #tpu.memory_space<smem>>
    %get3A_2 = arith.constant 0 : index
    %get3A_3 = arith.constant 0 : index
    %get3A_4 = memref.load %arg1[%get3A_2, %get3A_3] : memref<1x1xf32, #tpu.memory_space<smem>>
    %get3A_5 = arith.constant 0 : index
    %get3A_6 = arith.constant 0 : index
    %get3A_7 = memref.load %arg2[%get3A_5, %get3A_6] : memref<1x1xf32, #tpu.memory_space<smem>>
    %get3A_8 = arith.constant 0 : index
    %get3A_9 = arith.constant 0 : index
    %get3A_10 = memref.load %arg3[%get3A_8, %get3A_9] : memref<1x1xi32, #tpu.memory_space<smem>>
    %get3A_11 = arith.constant 0 : index
    %get3A_12 = arith.constant 0 : index
    %get3A_13 = vector.load %arg4[%get3A_11, %get3A_12] : memref<256x100xf32, #tpu.memory_space<vmem>>, vector<256x100xf32>
    %div3A = vector.broadcast %get3A_1 : f32 to vector<256x100xf32>
    %div3A_14 = arith.divf %get3A_13, %div3A : vector<256x100xf32>
    %reduce_max3A = arith.constant dense<0xFF800000> : vector<256xf32>
    %reduce_max3A_15 = vector.multi_reduction <maximumf>, %div3A_14, %reduce_max3A [1] : vector<256x100xf32> to vector<256xf32>
    %broadcast_in_dim3A = vector.shape_cast %reduce_max3A_15 : vector<256xf32> to vector<256x1xf32>
    %sub3A = vector.broadcast %broadcast_in_dim3A : vector<256x1xf32> to vector<256x100xf32>
    %sub3A_16 = arith.subf %div3A_14, %sub3A : vector<256x100xf32>
    %exp3A = math.exp %sub3A_16 : vector<256x100xf32>
    %reduce_sum3A = arith.constant dense<0.000000e+00> : vector<256xf32>
    %reduce_sum3A_17 = vector.multi_reduction <add>, %exp3A, %reduce_sum3A [1] : vector<256x100xf32> to vector<256xf32>
    %broadcast_in_dim3A_18 = vector.shape_cast %reduce_sum3A_17 : vector<256xf32> to vector<256x1xf32>
    %div3A_19 = vector.broadcast %broadcast_in_dim3A_18 : vector<256x1xf32> to vector<256x100xf32>
    %div3A_20 = arith.divf %exp3A, %div3A_19 : vector<256x100xf32>
    %add3A = arith.constant 9.99999997E-7 : f32
    %add3A_21 = vector.broadcast %add3A : f32 to vector<256x100xf32>
    %add3A_22 = arith.addf %div3A_20, %add3A_21 : vector<256x100xf32>
    %log3A = math.log %add3A_22 : vector<256x100xf32>
    %add3A_23 = arith.constant 1.000000e-30 : f32
    %add3A_24 = vector.broadcast %add3A_23 : f32 to vector<256x100xf32>
    %add3A_25 = arith.addf %div3A_20, %add3A_24 : vector<256x100xf32>
    %log3A_26 = math.log %add3A_25 : vector<256x100xf32>
    %mul3A = arith.mulf %div3A_20, %log3A_26 : vector<256x100xf32>
    %reduce_sum3A_27 = arith.constant dense<0.000000e+00> : vector<256xf32>
    %reduce_sum3A_28 = vector.multi_reduction <add>, %mul3A, %reduce_sum3A_27 [1] : vector<256x100xf32> to vector<256xf32>
    %broadcast_in_dim3A_29 = vector.shape_cast %reduce_sum3A_28 : vector<256xf32> to vector<256x1xf32>
    %dot_general3A = arith.constant dense<0.000000e+00> : vector<256x256xf32>
    %dot_general3A_30 = tpu.matmul %div3A_20, %log3A, %dot_general3A {dimension_numbers = #tpu.dot_dimension_numbers<[1], [1], [0], [0], [0, 0, 1, 0], [], []>, precision = #tpu.contract_precision<fp32>, transpose_lhs_hint = false} : vector<256x100xf32>, vector<256x100xf32>, vector<256x256xf32> -> vector<256x256xf32>
    %sub3A_31 = vector.broadcast %broadcast_in_dim3A_29 : vector<256x1xf32> to vector<256x256xf32>
    %sub3A_32 = arith.subf %sub3A_31, %dot_general3A_30 : vector<256x256xf32>
    %add3A_33 = arith.constant 1.000100e-06 : f32
    %add3A_34 = vector.broadcast %add3A_33 : f32 to vector<256x256xf32>
    %add3A_35 = arith.addf %sub3A_32, %add3A_34 : vector<256x256xf32>
    %iota3A = tpu.iota {dimensions = array<i32: 0>} : vector<256x256xi32>
    %iota3A_36 = tpu.iota {dimensions = array<i32: 1>} : vector<256x256xi32>
    %eq3A = arith.cmpi eq, %iota3A, %iota3A_36 : vector<256x256xi32>
    %convert_element_type3A = arith.extui %eq3A : vector<256x256xi1> to vector<256x256xi32>
    %convert_element_type3A_37 = arith.sitofp %convert_element_type3A : vector<256x256xi32> to vector<256x256xf32>
    %get3A_38 = arith.constant 0 : index
    %get3A_39 = arith.constant 0 : index
    %get3A_40 = vector.load %arg5[%get3A_38, %get3A_39] : memref<1x256xi32, #tpu.memory_space<vmem>>, vector<1x256xi32>
    %convert_element_type3A_41 = arith.sitofp %get3A_40 : vector<1x256xi32> to vector<1x256xf32>
    %mul3A_42 = vector.broadcast %convert_element_type3A_41 : vector<1x256xf32> to vector<256x256xf32>
    %mul3A_43 = arith.mulf %convert_element_type3A_37, %mul3A_42 : vector<256x256xf32>
    %reduce_sum3A_44 = arith.constant dense<0.000000e+00> : vector<256xf32>
    %reduce_sum3A_45 = vector.multi_reduction <add>, %mul3A_43, %reduce_sum3A_44 [1] : vector<256x256xf32> to vector<256xf32>
    %broadcast_in_dim3A_46 = vector.shape_cast %reduce_sum3A_45 : vector<256xf32> to vector<256x1xf32>
    %iota3A_47 = tpu.iota {dimensions = array<i32: 1>} : vector<256x100xi32>
    %convert_element_type3A_48 = arith.sitofp %iota3A_47 : vector<256x100xi32> to vector<256x100xf32>
    %eq3A_49 = vector.broadcast %broadcast_in_dim3A_46 : vector<256x1xf32> to vector<256x100xf32>
    %eq3A_50 = arith.cmpf oeq, %eq3A_49, %convert_element_type3A_48 : vector<256x100xf32>
    %convert_element_type3A_51 = arith.extui %eq3A_50 : vector<256x100xi1> to vector<256x100xi32>
    %convert_element_type3A_52 = arith.sitofp %convert_element_type3A_51 : vector<256x100xi32> to vector<256x100xf32>
    %dot_general3A_53 = arith.constant dense<0.000000e+00> : vector<256x256xf32>
    %dot_general3A_54 = tpu.matmul %div3A_20, %convert_element_type3A_52, %dot_general3A_53 {dimension_numbers = #tpu.dot_dimension_numbers<[1], [1], [0], [0], [0, 0, 1, 0], [], []>, precision = #tpu.contract_precision<fp32>, transpose_lhs_hint = false} : vector<256x100xf32>, vector<256x100xf32>, vector<256x256xf32> -> vector<256x256xf32>
    %dot_general3A_55 = arith.constant dense<0.000000e+00> : vector<256x256xf32>
    %dot_general3A_56 = tpu.matmul %convert_element_type3A_52, %div3A_20, %dot_general3A_55 {dimension_numbers = #tpu.dot_dimension_numbers<[1], [1], [0], [0], [0, 0, 1, 0], [], []>, precision = #tpu.contract_precision<fp32>, transpose_lhs_hint = false} : vector<256x100xf32>, vector<256x100xf32>, vector<256x256xf32> -> vector<256x256xf32>
    %mul3A_57 = arith.mulf %div3A_20, %convert_element_type3A_52 : vector<256x100xf32>
    %reduce_sum3A_58 = arith.constant dense<0.000000e+00> : vector<256xf32>
    %reduce_sum3A_59 = vector.multi_reduction <add>, %mul3A_57, %reduce_sum3A_58 [1] : vector<256x100xf32> to vector<256xf32>
    %broadcast_in_dim3A_60 = vector.shape_cast %reduce_sum3A_59 : vector<256xf32> to vector<256x1xf32>
    %mul3A_61 = arith.mulf %dot_general3A_54, %convert_element_type3A_37 : vector<256x256xf32>
    %reduce_sum3A_62 = arith.constant dense<0.000000e+00> : vector<256xf32>
    %reduce_sum3A_63 = vector.multi_reduction <add>, %mul3A_61, %reduce_sum3A_62 [0] : vector<256x256xf32> to vector<256xf32>
    %broadcast_in_dim3A_64 = vector.shape_cast %reduce_sum3A_63 : vector<256xf32> to vector<1x256xf32>
    %add3A_65 = arith.constant 9.99999997E-7 : f32
    %add3A_66 = vector.broadcast %add3A_65 : f32 to vector<256x256xf32>
    %add3A_67 = arith.addf %dot_general3A_56, %add3A_66 : vector<256x256xf32>
    %div3A_68 = vector.broadcast %broadcast_in_dim3A_60 : vector<256x1xf32> to vector<256x256xf32>
    %div3A_69 = arith.divf %div3A_68, %add3A_67 : vector<256x256xf32>
    %add3A_70 = arith.constant 9.99999997E-7 : f32
    %add3A_71 = vector.broadcast %add3A_70 : f32 to vector<256x256xf32>
    %add3A_72 = arith.addf %div3A_69, %add3A_71 : vector<256x256xf32>
    %log3A_73 = math.log %add3A_72 : vector<256x256xf32>
    %mul3A_74 = vector.broadcast %broadcast_in_dim3A_60 : vector<256x1xf32> to vector<256x256xf32>
    %mul3A_75 = arith.mulf %mul3A_74, %log3A_73 : vector<256x256xf32>
    %add3A_76 = arith.constant 9.99999997E-7 : f32
    %add3A_77 = vector.broadcast %add3A_76 : f32 to vector<1x256xf32>
    %add3A_78 = arith.addf %broadcast_in_dim3A_64, %add3A_77 : vector<1x256xf32>
    %div3A_79 = vector.broadcast %add3A_78 : vector<1x256xf32> to vector<256x256xf32>
    %div3A_80 = arith.divf %dot_general3A_54, %div3A_79 : vector<256x256xf32>
    %add3A_81 = arith.constant 9.99999997E-7 : f32
    %add3A_82 = vector.broadcast %add3A_81 : f32 to vector<256x256xf32>
    %add3A_83 = arith.addf %div3A_80, %add3A_82 : vector<256x256xf32>
    %log3A_84 = math.log %add3A_83 : vector<256x256xf32>
    %mul3A_85 = arith.mulf %dot_general3A_54, %log3A_84 : vector<256x256xf32>
    %add3A_86 = arith.addf %mul3A_75, %mul3A_85 : vector<256x256xf32>
    %get3A_87 = arith.constant 0 : index
    %get3A_88 = arith.constant 0 : index
    %get3A_89 = vector.load %arg6[%get3A_87, %get3A_88] : memref<100x100xf32, #tpu.memory_space<vmem>>, vector<100x100xf32>
    %dot_general3A_90 = arith.constant dense<0.000000e+00> : vector<256x100xf32>
    %dot_general3A_91 = tpu.matmul %convert_element_type3A_52, %get3A_89, %dot_general3A_90 {dimension_numbers = #tpu.dot_dimension_numbers<[1], [0], [0], [1], [0, 0, 1, 1], [], []>, precision = #tpu.contract_precision<fp32>, transpose_lhs_hint = false} : vector<256x100xf32>, vector<100x100xf32>, vector<256x100xf32> -> vector<256x100xf32>
    %dot_general3A_92 = arith.constant dense<0.000000e+00> : vector<256x256xf32>
    %dot_general3A_93 = tpu.matmul %dot_general3A_91, %convert_element_type3A_52, %dot_general3A_92 {dimension_numbers = #tpu.dot_dimension_numbers<[1], [1], [0], [0], [0, 0, 1, 0], [], []>, precision = #tpu.contract_precision<fp32>, transpose_lhs_hint = false} : vector<256x100xf32>, vector<256x100xf32>, vector<256x256xf32> -> vector<256x256xf32>
    %gt3A = arith.cmpi sgt, %iota3A_36, %iota3A : vector<256x256xi32>
    %convert_element_type3A_94 = arith.extui %gt3A : vector<256x256xi1> to vector<256x256xi32>
    %convert_element_type3A_95 = arith.sitofp %convert_element_type3A_94 : vector<256x256xi32> to vector<256x256xf32>
    %eq3A_96 = vector.broadcast %broadcast_in_dim3A_46 : vector<256x1xf32> to vector<256x256xf32>
    %eq3A_97 = vector.broadcast %convert_element_type3A_41 : vector<1x256xf32> to vector<256x256xf32>
    %eq3A_98 = arith.cmpf oeq, %eq3A_96, %eq3A_97 : vector<256x256xf32>
    %convert_element_type3A_99 = arith.extui %eq3A_98 : vector<256x256xi1> to vector<256x256xi32>
    %convert_element_type3A_100 = arith.sitofp %convert_element_type3A_99 : vector<256x256xi32> to vector<256x256xf32>
    %mul3A_101 = arith.mulf %convert_element_type3A_95, %convert_element_type3A_100 : vector<256x256xf32>
    %sub3A_102 = arith.constant 1.000000e+00 : f32
    %sub3A_103 = vector.broadcast %sub3A_102 : f32 to vector<256x256xf32>
    %sub3A_104 = arith.subf %sub3A_103, %convert_element_type3A_100 : vector<256x256xf32>
    %mul3A_105 = arith.mulf %convert_element_type3A_95, %sub3A_104 : vector<256x256xf32>
    %abs3A = math.absf %add3A_35 : vector<256x256xf32>
    %mul3A_106 = arith.mulf %abs3A, %mul3A_101 : vector<256x256xf32>
    %reduce_sum3A_107 = vector.shape_cast %mul3A_106 : vector<256x256xf32> to vector<1x256x256xf32>
    %reduce_sum3A_108 = arith.constant dense<0.000000e+00> : vector<1xf32>
    %reduce_sum3A_109 = vector.multi_reduction <add>, %reduce_sum3A_107, %reduce_sum3A_108 [1, 2] : vector<1x256x256xf32> to vector<1xf32>
    %reduce_sum3A_110 = vector.shape_cast %reduce_sum3A_109 : vector<1xf32> to vector<1x1x1xf32>
    %reduce_sum3A_111 = vector.extract %reduce_sum3A_110[0, 0, 0] : f32 from vector<1x1x1xf32>
    %eq3A_112 = arith.constant 0 : i32
    %eq3A_113 = arith.cmpi eq, %get3A_10, %eq3A_112 : i32
    %jit3A = arith.constant 1.000000e+00 : f32
    %broadcast_in_dim3A_114 = vector.broadcast %jit3A : f32 to vector<256x256xf32>
    %select_n3A = arith.select %eq3A_113, %broadcast_in_dim3A_114, %dot_general3A_93 : vector<256x256xf32>
    %mul3A_115 = arith.mulf %add3A_86, %select_n3A : vector<256x256xf32>
    %abs3A_116 = math.absf %mul3A_115 : vector<256x256xf32>
    %mul3A_117 = arith.mulf %abs3A_116, %mul3A_105 : vector<256x256xf32>
    %reduce_sum3A_118 = vector.shape_cast %mul3A_117 : vector<256x256xf32> to vector<1x256x256xf32>
    %reduce_sum3A_119 = arith.constant dense<0.000000e+00> : vector<1xf32>
    %reduce_sum3A_120 = vector.multi_reduction <add>, %reduce_sum3A_118, %reduce_sum3A_119 [1, 2] : vector<1x256x256xf32> to vector<1xf32>
    %reduce_sum3A_121 = vector.shape_cast %reduce_sum3A_120 : vector<1xf32> to vector<1x1x1xf32>
    %reduce_sum3A_122 = vector.extract %reduce_sum3A_121[0, 0, 0] : f32 from vector<1x1x1xf32>
    %reduce_sum3A_123 = vector.shape_cast %mul3A_101 : vector<256x256xf32> to vector<1x256x256xf32>
    %reduce_sum3A_124 = arith.constant dense<0.000000e+00> : vector<1xf32>
    %reduce_sum3A_125 = vector.multi_reduction <add>, %reduce_sum3A_123, %reduce_sum3A_124 [1, 2] : vector<1x256x256xf32> to vector<1xf32>
    %reduce_sum3A_126 = vector.shape_cast %reduce_sum3A_125 : vector<1xf32> to vector<1x1x1xf32>
    %reduce_sum3A_127 = vector.extract %reduce_sum3A_126[0, 0, 0] : f32 from vector<1x1x1xf32>
    %reduce_sum3A_128 = vector.shape_cast %mul3A_105 : vector<256x256xf32> to vector<1x256x256xf32>
    %reduce_sum3A_129 = arith.constant dense<0.000000e+00> : vector<1xf32>
    %reduce_sum3A_130 = vector.multi_reduction <add>, %reduce_sum3A_128, %reduce_sum3A_129 [1, 2] : vector<1x256x256xf32> to vector<1xf32>
    %reduce_sum3A_131 = vector.shape_cast %reduce_sum3A_130 : vector<1xf32> to vector<1x1x1xf32>
    %reduce_sum3A_132 = vector.extract %reduce_sum3A_131[0, 0, 0] : f32 from vector<1x1x1xf32>
    %ne3A = arith.constant 0.000000e+00 : f32
    %ne3A_133 = arith.cmpf one, %reduce_sum3A_127, %ne3A : f32
    %div3A_134 = arith.divf %reduce_sum3A_111, %reduce_sum3A_127 : f32
    %select_n3A_135 = arith.select %ne3A_133, %div3A_134, %reduce_sum3A_111 : f32
    %ne3A_136 = arith.constant 0.000000e+00 : f32
    %ne3A_137 = arith.cmpf one, %reduce_sum3A_132, %ne3A_136 : f32
    %div3A_138 = arith.divf %reduce_sum3A_122, %reduce_sum3A_132 : f32
    %select_n3A_139 = arith.select %ne3A_137, %div3A_138, %reduce_sum3A_122 : f32
    %ne3A_140 = arith.constant 0.000000e+00 : f32
    %ne3A_141 = arith.cmpf one, %select_n3A_139, %ne3A_140 : f32
    %add3A_142 = arith.constant 9.99999997E-7 : f32
    %add3A_143 = arith.addf %select_n3A_139, %add3A_142 : f32
    %div3A_144 = arith.constant 1.000000e+00 : f32
    %div3A_145 = arith.divf %div3A_144, %add3A_143 : f32
    %mul3A_146 = arith.mulf %div3A_145, %get3A_4 : f32
    %select_n3A_147 = arith.select %ne3A_141, %mul3A_146, %select_n3A_139 : f32
    %mul3A_148 = arith.mulf %select_n3A_135, %get3A_7 : f32
    %add3A_149 = arith.addf %mul3A_148, %select_n3A_147 : f32
    %broadcast_in_dim3A_150 = vector.broadcast %add3A_149 : f32 to vector<1x1xf32>
    %swap3A = arith.constant 0 : index
    %swap3A_151 = arith.constant 0 : index
    %swap3A_152 = vector.load %arg7[%swap3A, %swap3A_151] : memref<1x1xf32, #tpu.memory_space<vmem>>, vector<1x1xf32>
    tpu.vector_store %arg7[%swap3A, %swap3A_151], %broadcast_in_dim3A_150 {strides = array<i32>} : memref<1x1xf32, #tpu.memory_space<vmem>>, vector<1x1xf32>,
    return
  }
}

</mosaic_0001>

<sc_bundles>
// kernel: kernel.4.cloned.1.call-start
scs
__scs_entry_jumppad:
0x0: {  	(pc) =	sbr.rel $0x88, $3  }
0x1: {  	(tag) =	ssettag $0x0;
	lr =	simm.s32 $0x1  }
0x2: {  	[smem:$0x3F9A] =	sst lr;
	_ =	strace $0xD0000000  }
0x3: {  	_ = 	snop  }
0x4: {  	_ = 	snop  }
0x5: {  	_ = 	snop  }
0x6: {  	_ = 	snop  }
0x7: {  	_ = 	snop  }
__scs_overlays_trampoline_lowered:
0x8: {  	[smem:$0x3FA9] =	sst s0  }
0x9: {  	[smem:$0x3FAA] =	sst s1  }
0xa: {  	[smem:$0x3FAB] =	sst s2  }
0xb: {  	[smem:$0x3FAC] =	sst s3  }
0xc: {  	[smem:$0x3FAD] =	sst s4  }
0xd: {  	[smem:$0x3FAE] =	sst s5  }
0xe: {  	[smem:$0x3FAF] =	sst s6  }
0xf: {  	[smem:$0x3FB0] =	sst s7  }
0x10: {  	[smem:$0x3FB1] =	sst s8  }
0x11: {  	[smem:$0x3FB2] =	sst s9;
	s0 =	simm.s32 @!p0 $0x0  }
0x12: {  	s1 =	sld [smem:$0x3F98];
	s0 =	simm.s32 @p0 $0x1  }
0x13: {  	[smem:$0x3FB3] =	sst s0;
	s0 =	simm.s32 @!p1 $0x0  }
0x14: {  	s2 =	sld [smem:$0x3F97];
	s0 =	simm.s32 @p1 $0x1  }
0x15: {  	[smem:$0x3FB4] =	sst s0;
	s0 =	simm.s32 @!p2 $0x0  }
0x16: {  	s3 =	sld [smem:$0x3FDB];
	s0 =	simm.s32 @p2 $0x1  }
0x17: {  	s4 =	simm.s32 $0x1BF5;
	[smem:$0x3FB6] =	sst s0  }
0x18: {  	s0 =	sld [smem:$0x3F99];
	_ =	swait.ge [sflag:s4], $0x0  }
0x19: {  	s7 =	sld [smem:$0x3F9A]  }
0x1a: {  	s8 =	sadd.s32 $0xFFFFE003, lr  }
0x1b: {  	s9 =	sadd.s32 $0xFFFFFEF7, lr;
	s5 =	simm.s32 $0xFFFFFFFF;
	p2 =	slt.u32 s8, $0xFFFFF086  }
0x1c: {  	p1 =	slt.u32 s9, $0xF7A;
	s5 =	simm.s32 @!p2 $0x0  }
0x1d: {  	s5 =	simm.s32 @p1 $0x1;
	p0 =	seq.s32 s7, s2  }
0x1e: {  	s7 =	smul.u32 @!p0 $0xF7A, s2;
	p2 =	seq.s32 @!p0 s5, $0x0  }
0x1f: {  	s9 =	smul.u32 $0xF7A, s1;
	s8 =	simm.s32 @!p0 $0x1BF5;
	p2 =	por !p2, p0  }
0x20: {  	[sflag:s8] =	ssyncset.s32 @!p0 $0xFFFFF086;
	s6 =	sadd.s32 @!p0 s3, s7;
	s7 =	simm.s32 @!p0 $0x108  }
0x21: {  	s3 =	sadd.s32 s3, s9;
	s6 =	sadd.s32 @!p0 $0x88, s6;
	s7 =	simm.s32 @p2 $0x1082  }
0x22: {  	[simem:s7], [sflag:s8] =	dma.local @!p0 [hbm:s6], $0xF7A  }
0x23: {  	s9 =	sor.u32 $0xD0000000, s2;
	s6 =	simm.s32 $0x108;
	_ =	swait.ge @!p0 [sflag:s8], $0x0  }
0x24: {  	s3 =	sadd.s32 $0x88, s3;
	s6 =	simm.s32 @!p1 $0x1082;
	[sflag:s4] =	ssyncset.s32 $0xFFFFF086  }
0x25: {  	[simem:s6], [sflag:s4] =	dma.local [hbm:s3], $0xF7A  }
0x26: {  	[smem:$0x3F9A] =	sst s1;
	(tag) =	ssettag s2;
	_ =	strace s9  }
0x27: {  	s1 =	sld [smem:$0x3FAA]  }
0x28: {  	s2 =	sld [smem:$0x3FAB]  }
0x29: {  	s4 =	sld [smem:$0x3FAD]  }
0x2a: {  	p0 =	seq.s32 s5, $0x0;
	s5 =	sld [smem:$0x3FAE]  }
0x2b: {  	s6 =	sld [smem:$0x3FAF]  }
0x2c: {  	s7 =	sld [smem:$0x3FB0]  }
0x2d: {  	s3 =	simm.s32 $0x108;
	s8 =	sld [smem:$0x3FB1]  }
0x2e: {  	s3 =	simm.s32 @!p0 $0x1082;
	s9 =	sld [smem:$0x3FB2]  }
0x2f: {  	lr =	sadd.s32 s0, s3;
	s0 =	sld [smem:$0x3FA9]  }
0x30: {  	s3 =	sld [smem:$0x3FAC]  }
0x31: {  	[smem:$0x3FB5] =	sst s10  }
0x32: {  	s10 =	sld [smem:$0x3FB3];
	_ =	sdelay $0x3  }
0x33: {  	p0 =	seq.s32 s10, $0x1;
	s10 =	sld [smem:$0x3FB5];
	_ =	sdelay $0x3  }
0x34: {  	[smem:$0x3FB5] =	sst s10  }
0x35: {  	s10 =	sld [smem:$0x3FB4];
	_ =	sdelay $0x3  }
0x36: {  	p1 =	seq.s32 s10, $0x1;
	s10 =	sld [smem:$0x3FB5];
	_ =	sdelay $0x3  }
0x37: {  	[smem:$0x3FB5] =	sst s10  }
0x38: {  	s10 =	sld [smem:$0x3FB6]  }
0x39: {  	_ = 	snop;
	(pc) =	sbr.ind lr, $3  }
0x3a: {  	_ = 	snop  }
0x3b: {  	_ = 	snop  }
0x3c: {  	p2 =	seq.s32 s10, $0x1;
	s10 =	sld [smem:$0x3FB5]  }
0x3d: {  	_ =	shalt  }
0x3e: {  	_ =	shalt  }
0x3f: {  	_ =	shalt  }
0x40: {  	_ =	shalt  }
0x41: {  	_ =	shalt  }
0x42: {  	_ =	shalt  }
0x43: {  	_ =	shalt  }
0x44: {  	_ =	shalt  }
0x45: {  	_ =	shalt  }
0x46: {  	_ =	shalt  }
0x47: {  	_ =	shalt  }
0x48: {  	_ =	shalt  }
0x49: {  	_ =	shalt  }
0x4a: {  	_ =	shalt  }
0x4b: {  	_ =	shalt  }
0x4c: {  	_ =	shalt  }
0x4d: {  	_ =	shalt  }
0x4e: {  	_ =	shalt  }
0x4f: {  	_ =	shalt  }
0x50: {  	_ =	shalt  }
0x51: {  	_ =	shalt  }
0x52: {  	_ =	shalt  }
0x53: {  	_ =	shalt  }
0x54: {  	_ =	shalt  }
0x55: {  	_ =	shalt  }
0x56: {  	_ =	shalt  }
0x57: {  	_ =	shalt  }
0x58: {  	_ =	shalt  }
0x59: {  	_ =	shalt  }
0x5a: {  	_ =	shalt  }
0x5b: {  	_ =	shalt  }
0x5c: {  	_ =	shalt  }
0x5d: {  	_ =	shalt  }
0x5e: {  	_ =	shalt  }
0x5f: {  	_ =	shalt  }
0x60: {  	_ =	shalt  }
0x61: {  	_ =	shalt  }
0x62: {  	_ =	shalt  }
0x63: {  	_ =	shalt  }
0x64: {  	_ =	shalt  }
0x65: {  	_ =	shalt  }
0x66: {  	_ =	shalt  }
0x67: {  	_ =	shalt  }
0x68: {  	_ =	shalt  }
0x69: {  	_ =	shalt  }
0x6a: {  	_ =	shalt  }
0x6b: {  	_ =	shalt  }
0x6c: {  	_ =	shalt  }
0x6d: {  	_ =	shalt  }
0x6e: {  	_ =	shalt  }
0x6f: {  	_ =	shalt  }
0x70: {  	_ =	shalt  }
0x71: {  	_ =	shalt  }
0x72: {  	_ =	shalt  }
0x73: {  	_ =	shalt  }
0x74: {  	_ =	shalt  }
0x75: {  	_ =	shalt  }
0x76: {  	_ =	shalt  }
0x77: {  	_ =	shalt  }
0x78: {  	_ =	shalt  }
0x79: {  	_ =	shalt  }
0x7a: {  	_ =	shalt  }
0x7b: {  	_ =	shalt  }
0x7c: {  	_ =	shalt  }
0x7d: {  	_ =	shalt  }
0x7e: {  	_ =	shalt  }
0x7f: {  	_ =	shalt  }
0x80: {  	_ =	shalt  }
0x81: {  	_ =	shalt  }
0x82: {  	_ =	shalt  }
0x83: {  	_ =	shalt  }
0x84: {  	_ =	shalt  }
0x85: {  	_ =	shalt  }
0x86: {  	_ =	shalt  }
0x87: {  	_ =	shalt  }
.Lfunc_end0:
.L_simem_size_0:
called_computation_lowered:
.L_overlay_start_0:
0x88: {  	s2 =	sld [smem:$0x3FD9]  }
0x89: {  	s3 =	sld [smem:$0x3FFE];
	_ =	sdelay $0x1  }
0x8a: {  	s1 =	srdreg.scid  }
0x8b: {  	s0 =	sand.u32 $0x1, s1  }
0x8c: {  	s17 =	sshll.u32 s0, $0xA;
	s2 =	sadd.s32 s3, s2  }
0x8d: {  	s2 =	sadd.s32 s2, s17  }
0x8e: {  	[smem:$0x3FC1] =	sst s2  }
0x8f: {  	_ = 	snop  }
0x90: {  	s2 =	sld [smem:$0x3FC8];
	(tm) =	ssettm $0x1  }
0x91: {  	s18 =	sld [smem:$0x3FFB];
	_ =	sdelay $0x3  }
0x92: {  	_ =	strace s18  }
0x93: {  	s3 =	sld [smem:$0x3FFC];
	_ =	sdelay $0x3  }
0x94: {  	_ =	strace s3  }
0x95: {  	s3 =	sld [smem:$0x3FFD];
	_ =	sdelay $0x3  }
0x96: {  	_ =	strace s3  }
0x97: {  	_ =	strace $0x8FFFFFFF  }
0x98: {  	s19 =	sld [smem:$0x3FDB];
	_ =	sdelay $0x1  }
0x99: {  	s4 =	simm.s32 $_scs_section_size  }
0x9a: {  	s5 =	simm.s32 $_size__tile_overlayer_lowered;
	s6 =	simm.s32 $_tile_overlayer_lowered  }
0x9b: {  	s22 =	simm.s32 $0x1BFF;
	s21 =	sshll.u32 s6, $0x1;
	s3 =	sadd.s32 s4, s19  }
0x9c: {  	s7 =	simm.s32 $0x0;
	s20 =	sshll.u32 s5, $0x1;
	s5 =	sadd.s32 s21, s3  }
0x9d: {  	[timem:s7], [sflag:s22] =	dma.local [hbm:s5], s20  }
0x9e: {  	_ =	swait.ge [sflag:s22], s20  }
0x9f: {  	s4 =	ssub.s32 $0x0, s20;
	[sflag:s22] =	ssyncset.done $0x0  }
0xa0: {  	[sflag:s22] =	ssyncadd.s32 s4;
	_ =	sdelay $0x1  }
0xa1: {  	s23 =	simm.s32 $0x1B8B  }
0xa2: {  	_ =	swait.ge [sflag:s23], $0x1  }
0xa3: {  	[sflag:s23] =	ssyncset.done $0x0  }
0xa4: {  	s25 =	simm.s32 $0x1B8E;
	s24 =	sld [smem:$0x3FFE];
	[sflag:s23] =	ssyncadd.s32 $0xFFFFFFFF  }
0xa5: {  	s26 =	simm.s32 $execute0_lowered;
	[smem:$0x3FD2] =	sst s25  }
0xa6: {  	s5 =	sshll.u32 s26, $0x1;
	_ =	strace $0x80000046;
	[dreg:$0x1] =	wrdreg $0xFFFFFFFF  }
0xa7: {  	s28 =	simm.s32 $_size_execute0_lowered;
	s3 =	sadd.s32 s3, s5;
	[dreg:$0x0] =	wrdreg $0x0  }
0xa8: {  	s5 =	sshll.u32 s28, $0x1;
	[dreg:$0x2] =	wrdreg s3  }
0xa9: {  	[dreg:$0x3] =	wrdreg s5  }
0xaa: {  	[dreg:$0x4] =	wrdreg $0xC0  }
0xab: {  	_ =	task [dreg:s7], $0x5FFFF  }
0xac: {  	[dreg:$0x1] =	wrdreg $0xFFFFFFFF  }
0xad: {  	[dreg:$0x0] =	wrdreg $0x60  }
0xae: {  	[dreg:$0x2] =	wrdreg s24  }
0xaf: {  	[dreg:$0x3] =	wrdreg s2  }
0xb0: {  	[dreg:$0x4] =	wrdreg $0x33800  }
0xb1: {  	[dreg:$0x5] =	wrdreg $0x9  }
0xb2: {  	_ =	task.clear_ibuf [dreg:s7], $0x6FFFF;
	_ =	strace $0x90000046  }
0xb3: {  	s29 =	simm.s32 $0x9;
	_ =	strace $0x80000048  }
0xb4: {  	_ =	swait.ge [sflag:s29], $0x1  }
0xb5: {  	[sflag:s29] =	ssyncadd.s32 $0xFFFFFFFF  }
0xb6: {  	_ =	strace $0x90000048  }
0xb7: {  	_ =	sfence  }
0xb8: {  	s30 =	sld [smem:$0x0];
	_ =	sdelay $0x2  }
0xb9: {  	s31 =	sshll.u32 s1, $0xD;
	s1 =	sshrl.u32 s1, $0x2  }
0xba: {  	s3 =	sand.u32 $0x4000, s31;
	s1 =	sadd.s32 s1, s30  }
0xbb: {  	s0 =	sor.u32 s3, s0;
	s1 =	sshll.u32 s1, $0x11  }
0xbc: {  	s0 =	sor.u32 s1, s0  }
0xbd: {  	s0 =	sadd.s32 $0x8F2B, s0  }
0xbe: {  	[sflag:s0] =	ssyncadd.remote.s32 $0x1  }
0xbf: {  	_ =	sfence.sel $0xFFFF  }
0xc0: {  	[dreg:$0x0] =	wrdreg $0xFFFFFFFF;
	(pc) =	sbr.abs _section_cstart, $3  }
0xc1: {  	[dreg:$0x1] =	wrdreg $0xFFFFFFFF  }
0xc2: {  	_ =	task.clear_ibuf [dreg:s7], $0x2FFFF;
	_ =	strace $0x9FFFFFFF  }
0xc3: {  	(tm) =	ssettm $0x7FFFFFFF  }
tec
execute0_lowered:
.L_overlay_start_1:
0x0: {  	(tag) =	ssettag $0x1  }
0x1: {  	s4 =	rddreg [dreg:$0x0]  }
0x2: {  	s6 =	rddreg [dreg:$0x1]  }
0x3: {  	s1 =	rddreg [dreg:$0x2]  }
0x4: {  	s0 =	rddreg [dreg:$0x3];
	s2 =	simm.s32 $0x0;
	s3 =	srdreg.scid  }
0x5: {  	s11 =	simm.s32 $0x980;
	s12 =	simm.s32 $0x10;
	s13 =	simm.s32 $0x880  }
0x6: {  	s14 =	simm.s32 $0x900;
	[smem:$0x7FF] =	sst s2;
	s9 =	sand.u32 $0x1, s3  }
0x7: {  	s3 =	stileid.u32;
	_ =	strace $0x80000047;
	s5 =	ssub.s32 $0x2, s9  }
0x8: {  	v0 =	vlaneseq.u32;
	s7 =	sshll.u32 s3, $0x8;
	s10 =	smul.u32 $0xA00, s3;
	s31 =	sshll.u32 s3, $0x1  }
.Ltmp0:
0x9: {  	v2 =	vadd.s32 $0x80000054, v0;
	v3 =	vor.u32 $0x80000050, v0;
	s15 =	sor.u32 s3, s9;
	p0 =	sne.s32 s9, $0x0;
	(pc) =	sbr.rel .LBB2_1-.Ltmp0, $4  }
0xa: {  	v4 =	vor.u32 $0x80000040, v0;
	v5 =	vor.u32 $0x80000030, v0;
	v6 =	vor.u32 $0x80000020, v0;
	s9 =	simm.s32 $0x1;
	s8 =	sshrl.u32 s5, $0x1;
	s7 =	sadd.s32 s7, s4  }
0xb: {  	v1 =	vimm.f32 $0.0e+00;
	v7 =	vor.u32 $0x80000010, v0;
	v8 =	vor.u32 $0x80000000, v0;
	s4 =	sadd.s32 $0x1A00, s4;
	s6 =	sadd.s32 s6, s31;
	p1 =	sne.s32 s15, $0x0  }
0xc: {  	v9 =	vor.u32 $0x10, v0;
	v10 =	vor.u32 $0x20, v0;
	v11 =	vor.u32 $0x30, v0;
	s8 =	ssub.s32 s5, s8;
	s5 =	sadd.s32 $0xA00, s7;
	s10 =	sshrl.u32 s10, $0x2  }
0xd: {  	v12 =	vor.u32 $0x40, v0;
	v13 =	vor.u32 $0x50, v0;
	v14 =	vadd.s32 $0x54, v0;
	s7 =	sadd.s32 s10, s1;
	s8 =	smax.u32 s8, $0x1;
	s10 =	simm.s32 $0x800  }
.LBB2_5:
0xe: {  	[bflag:$0x0] =	sbarrier.arrive $0xFFFF  }
.LBB2_6:
0xf: {  	[bflag:$0x0] =	sbarrier.arrive $0xFFFF;
	s15 =	simm.s32 @!p1 $0xC00;
	s16 =	simm.s32 @!p1 $0x1  }
0x10: {  	[tilespmem:s15], [sflag:$0x1] =	stream.linear.gather @!p1 [spmem:s1], $0x2710, $0x38;
	[tilespmem:$0x3600] =	vst v63  }
0x11: {  	s2 =	sadd.s32 $0x1, s2;
	_ =	swait.ge @!p1 [sflag:s16], $0x2710  }
0x12: {  	p2 =	sne.s32 s2, s8;
	[sflag:s16] =	ssyncset.done @!p1 $0x0  }
.Ltmp1:
0x13: {  	s17 =	simm.s32 @!p1 $0x0;
	[sflag:s16] =	ssyncadd.s32 @!p1 $0xFFFFD8F0;
	(pc) =	sbr.rel @!p2 .LBB2_7-.Ltmp1, $4  }
0x14: {  	[hbm4b:s4+s17] =	stream.linear.scatter @!p1 [tilespmem:s15], [sflag:$0x1], $0x2780, $0x38;
	[tilespmem:$0x3600] =	vst v63  }
0x15: {  	_ =	swait.ge @!p1 [sflag:s16], $0x2780  }
0x16: {  	[sflag:s16] =	ssyncset.done @!p1 $0x0  }
0x17: {  	[sflag:s16] =	ssyncadd.s32 @!p1 $0xFFFFD880  }
.LBB2_1:
.Ltmp2:
0x18: {  	(pc) =	sbr.rel @p0 .LBB2_5-.Ltmp2, $1  }
0x19: {  	_ =	sdelay $0x3  }
0x1a: {  	s15 =	simm.s32 $0x0  }
0x1b: {  	[tilespmem:s15], [sflag:$0x1] =	stream.linear.gather [hbm4b:s5+s15], $0x800, $0x38;
	[tilespmem:$0x3600] =	vst v63  }
0x1c: {  	_ =	swait.ge [sflag:s9], $0x800  }
0x1d: {  	[sflag:s9] =	ssyncset.done $0x0  }
0x1e: {  	[sflag:s9] =	ssyncadd.s32 $0xFFFFF800  }
0x1f: {  	[tilespmem:s10], [sflag:$0x1] =	stream.linear.gather [hbm4b:s6+s15], $0x10, $0x38;
	[tilespmem:$0x3600] =	vst v63  }
0x20: {  	_ =	swait.ge [sflag:s9], $0x10  }
0x21: {  	[sflag:s9] =	ssyncset.done $0x0  }
0x22: {  	[sflag:s9] =	ssyncadd.s32 $0xFFFFFFF0  }
0x23: {  	[tilespmem:$0x980] =	vst v1  }
0x24: {  	[tilespmem:$0x990] =	vst v1  }
0x25: {  	[tilespmem:$0x9A0] =	vst v1  }
0x26: {  	[tilespmem:$0x9B0] =	vst v1  }
0x27: {  	[tilespmem:$0x9C0] =	vst v1  }
0x28: {  	[tilespmem:$0x9D0] =	vst v1  }
0x29: {  	[tilespmem:$0x9E0] =	vst v1  }
0x2a: {  	[tilespmem:$0x9F0] =	vst v1  }
0x2b: {  	[tilespmem:$0xA00] =	vst v1  }
0x2c: {  	[tilespmem:$0xA10] =	vst v1  }
0x2d: {  	[tilespmem:$0xA20] =	vst v1  }
0x2e: {  	[tilespmem:$0xA30] =	vst v1  }
0x2f: {  	[tilespmem:$0xA40] =	vst v1  }
0x30: {  	[tilespmem:$0xA50] =	vst v1  }
0x31: {  	[tilespmem:$0xA60] =	vst v1  }
0x32: {  	[tilespmem:$0xA70] =	vst v1  }
0x33: {  	[tilespmem:$0xA80] =	vst v1  }
0x34: {  	[tilespmem:$0xA90] =	vst v1  }
0x35: {  	[tilespmem:$0xAA0] =	vst v1  }
0x36: {  	[tilespmem:$0xAB0] =	vst v1  }
0x37: {  	[tilespmem:$0xAC0] =	vst v1  }
0x38: {  	[tilespmem:$0xAD0] =	vst v1  }
0x39: {  	[tilespmem:$0xAE0] =	vst v1  }
0x3a: {  	[tilespmem:$0xAF0] =	vst v1  }
0x3b: {  	[tilespmem:$0xB00] =	vst v1  }
0x3c: {  	[tilespmem:$0xB10] =	vst v1  }
0x3d: {  	[tilespmem:$0xB20] =	vst v1  }
0x3e: {  	[tilespmem:$0xB30] =	vst v1  }
0x3f: {  	[tilespmem:$0xB40] =	vst v1  }
0x40: {  	[tilespmem:$0xB50] =	vst v1  }
0x41: {  	[tilespmem:$0xB60] =	vst v1  }
0x42: {  	[tilespmem:$0xB70] =	vst v1  }
0x43: {  	[tilespmem:$0xB80] =	vst v1  }
0x44: {  	[tilespmem:$0xB90] =	vst v1  }
0x45: {  	[tilespmem:$0xBA0] =	vst v1  }
0x46: {  	[tilespmem:$0xBB0] =	vst v1  }
0x47: {  	[tilespmem:$0xBC0] =	vst v1  }
0x48: {  	[tilespmem:$0xBD0] =	vst v1  }
0x49: {  	[tilespmem:$0xBE0] =	vst v1  }
0x4a: {  	[tilespmem:$0xBF0] =	vst v1  }
0x4b: {  	[spmem:s7] =	stream.linear.scatter [tilespmem:s11], [sflag:$0x1], $0x280, $0x38;
	[tilespmem:$0x3600] =	vst v63  }
0x4c: {  	_ =	swait.ge [sflag:s9], $0x280  }
0x4d: {  	[sflag:s9] =	ssyncset.done $0x0  }
0x4e: {  	s16 =	simm.s32 $0x30;
	[sflag:s9] =	ssyncadd.s32 $0xFFFFFD80  }
0x4f: {  	v15 =	vld [tilespmem:s16+$0xFFFFFFD0]  }
0x50: {  	v16 =	vld [tilespmem:s16+$0xFFFFFFE0]  }
0x51: {  	v17 =	vld [tilespmem:s16+$0xFFFFFFF0]  }
0x52: {  	v19 =	vld [tilespmem:s16+$0x0]  }
0x53: {  	v20 =	vld [tilespmem:s16+$0x10]  }
0x54: {  	v21 =	vld [tilespmem:s16+$0x20]  }
0x55: {  	v35 =	vld [tilespmem:s16+$0x24];
	v18 =	vmax.f32 v15, v16  }
0x56: {  	v18 =	vmax.f32 v18, v17  }
0x57: {  	v18 =	vmax.f32 v18, v19  }
0x58: {  	v18 =	vmax.f32 v18, v20  }
0x59: {  	v18 =	vmax.f32 v18, v21  }
0x5a: {  	v18 =	vmax.f32 v18, v35  }
0x5b: {  	(xrf0) =	vmax.scan.msk.f32 $0xffff, v18;
	_ =	sdelay $0x2  }
0x5c: {  	s22 =	simm.s32 $0xB0  }
0x5d: {  	v29 =	vld [tilespmem:s22+$0xFFFFFFD0]  }
0x5e: {  	v34 =	vld [tilespmem:s22+$0xFFFFFFE0]  }
0x5f: {  	v30 =	vld [tilespmem:s22+$0xFFFFFFF0];
	v18, _, _ =	vpop (xrf0)  }
0x60: {  	v33 =	vld [tilespmem:s22+$0x0];
	v18 =	vbroadcast v18, $0xF  }
0x61: {  	v32 =	vld [tilespmem:s22+$0x10]  }
0x62: {  	v31 =	vld [tilespmem:s22+$0x20];
	vm0 =	veq.f32 v35, v18  }
0x63: {  	v28 =	vld [tilespmem:s22+$0x24];
	v22 =	vmax.f32 v29, v34;
	vm1 =	veq.f32 v21, v18;
	v23 =	vnsel vm0, $0x8000270F, v2  }
0x64: {  	v22 =	vmax.f32 v22, v30;
	vm0 =	veq.f32 v20, v18;
	v23 =	vsel vm1, v3, v23  }
0x65: {  	v22 =	vmax.f32 v22, v33;
	vm1 =	veq.f32 v19, v18;
	v23 =	vsel vm0, v4, v23  }
0x66: {  	v22 =	vmax.f32 v22, v32;
	vm0 =	veq.f32 v17, v18;
	v23 =	vsel vm1, v5, v23  }
0x67: {  	v22 =	vmax.f32 v22, v31;
	vm1 =	veq.f32 v16, v18;
	v23 =	vsel vm0, v6, v23  }
0x68: {  	vm0 =	veq.f32 v15, v18;
	v18 =	vmax.f32 v22, v28;
	v22 =	vsel vm1, v7, v23  }
0x69: {  	(xrf0) =	vmax.scan.msk.f32 $0xffff, v18;
	v18 =	vsel vm0, v8, v22  }
0x6a: {  	(xrf0) =	vmin.scan.msk.u32 $0xffff, v18;
	_ =	sdelay $0x4  }
0x6b: {  	s23 =	simm.s32 $0x130;
	v18, _, _ =	vpop (xrf0)  }
0x6c: {  	v38 =	vld [tilespmem:s23+$0xFFFFFFD0];
	v22, _, _ =	vpop (xrf0)  }
0x6d: {  	v39 =	vld [tilespmem:s23+$0xFFFFFFE0];
	(v2sf) =	vpush v22, $0xF  }
0x6e: {  	v26 =	vld [tilespmem:s23+$0xFFFFFFF0]  }
0x6f: {  	v24 =	vld [tilespmem:s23+$0x0];
	v22 =	vbroadcast v18, $0xF  }
0x70: {  	v25 =	vld [tilespmem:s23+$0x10]  }
0x71: {  	v23 =	vld [tilespmem:s23+$0x20];
	vm0 =	veq.f32 v28, v22  }
0x72: {  	v27 =	vmax.f32 v38, v39;
	v18 =	vld [tilespmem:s23+$0x24];
	vm1 =	veq.f32 v31, v22;
	v36 =	vnsel vm0, $0x8000270F, v2  }
0x73: {  	v27 =	vmax.f32 v27, v26;
	vm0 =	veq.f32 v32, v22;
	v36 =	vsel vm1, v3, v36  }
0x74: {  	v27 =	vmax.f32 v27, v24;
	vm1 =	veq.f32 v33, v22;
	v36 =	vsel vm0, v4, v36  }
0x75: {  	v27 =	vmax.f32 v27, v25;
	vm0 =	veq.f32 v30, v22;
	v36 =	vsel vm1, v5, v36  }
0x76: {  	v27 =	vmax.f32 v27, v23;
	vm1 =	veq.f32 v34, v22;
	v36 =	vsel vm0, v6, v36  }
0x77: {  	vm0 =	veq.f32 v29, v22;
	v22 =	vmax.f32 v27, v18;
	v27 =	vsel vm1, v7, v36  }
0x78: {  	(xrf0) =	vmax.scan.msk.f32 $0xffff, v22;
	v22 =	vsel vm0, v8, v27  }
0x79: {  	(xrf0) =	vmin.scan.msk.u32 $0xffff, v22;
	_ =	sdelay $0x2  }
0x7a: {  	s24 =	spop (v2sf)  }
0x7b: {  	s16 =	sxor.u32 $0x80000000, s24  }
0x7c: {  	v22, _, _ =	vpop (xrf0);
	v51 =	vmov s16  }
0x7d: {  	v27, _, _ =	vpop (xrf0);
	vm0 =	veq.s32 v51, v0  }
0x7e: {  	(v2sf) =	vpush v27, $0xF;
	vm1 =	veq.s32 v51, v9;
	v37 =	vsel vm0, $0xFF800000, v15  }
0x7f: {  	s17 =	simm.s32 $0x1B0;
	v40 =	vsel vm1, $0xFF800000, v16;
	v15 =	vbroadcast v22, $0xF;
	vm0 =	veq.s32 v51, v10  }
0x80: {  	v27 =	vld [tilespmem:s17+$0xFFFFFFE0];
	vm1 =	veq.s32 v51, v11;
	v16 =	vmax.f32 v37, v40;
	v41 =	vsel vm0, $0xFF800000, v17  }
0x81: {  	v22 =	vld [tilespmem:s17+$0xFFFFFFD0];
	vm0 =	veq.s32 v51, v12;
	v42 =	vsel vm1, $0xFF800000, v19;
	v17 =	vmax.f32 v16, v41  }
0x82: {  	vm1 =	veq.s32 v51, v13;
	v16 =	vld [tilespmem:s17+$0xFFFFFFF0];
	v43 =	vsel vm0, $0xFF800000, v20;
	v19 =	vmax.f32 v17, v42  }
0x83: {  	vm0 =	veq.s32 v51, v14;
	v52 =	vsel vm1, $0xFF800000, v21;
	v17 =	vld [tilespmem:s17+$0x0];
	v19 =	vmax.f32 v19, v43  }
0x84: {  	v21 =	vld [tilespmem:s17+$0x10];
	v35 =	vsel vm0, $0xFF800000, v35;
	v19 =	vmax.f32 v19, v52  }
0x85: {  	v20 =	vld [tilespmem:s17+$0x20];
	vm0 =	veq.f32 v18, v15;
	v44 =	vmax.f32 v19, v35  }
0x86: {  	vm1 =	veq.f32 v23, v15;
	v54 =	vnsel vm0, $0x8000270F, v2;
	v45 =	vmax.f32 v22, v27;
	v19 =	vld [tilespmem:s17+$0x24];
	(xrf0) =	vmax.scan.msk.f32 $0xffff, v44  }
0x87: {  	vm0 =	veq.f32 v25, v15;
	v53 =	vmax.f32 v45, v16;
	v45 =	vsel vm1, v3, v54  }
0x88: {  	vm1 =	veq.f32 v24, v15;
	v44 =	vmax.f32 v53, v17;
	v45 =	vsel vm0, v4, v45  }
0x89: {  	vm0 =	veq.f32 v26, v15;
	v44 =	vmax.f32 v44, v21;
	v45 =	vsel vm1, v5, v45  }
0x8a: {  	vm1 =	veq.f32 v39, v15;
	v44 =	vmax.f32 v44, v20;
	v45 =	vsel vm0, v6, v45  }
0x8b: {  	vm0 =	veq.f32 v38, v15;
	v44 =	vmax.f32 v44, v19;
	v15 =	vsel vm1, v7, v45  }
0x8c: {  	v55 =	vmov s15;
	(xrf0) =	vmax.scan.msk.f32 $0xffff, v44;
	v46 =	vsel vm0, v8, v15;
	v56, _, _ =	vpop (xrf0)  }
0x8d: {  	s25 =	simm.s32 $0x1;
	v15 =	vimm.s32 $0x0;
	vm0 =	veq.s32 v55, v0;
	(xrf0) =	vmin.scan.msk.u32 $0xffff, v46;
	s26 =	spop (v2sf);
	v57 =	vbroadcast v56, $0xF  }
0x8e: {  	v45 =	vsel vm0, s16, v15;
	v46 =	vmov s25;
	vm0 =	vmmov vm0;
	s28 =	sxor.u32 $0x80000000, s26  }
0x8f: {  	v58 =	vmov s28;
	vm4 =	veq.f32 v52, v57;
	vm1 =	veq.f32 v35, v57  }
0x90: {  	vm3 =	veq.f32 v43, v57;
	vm2 =	veq.s32 v58, v0;
	vm5 =	veq.s32 v58, v9  }
0x91: {  	vm6 =	veq.s32 v58, v10;
	vm7 =	veq.s32 v58, v11;
	vm8 =	veq.s32 v58, v14  }
0x92: {  	vm9 =	veq.s32 v58, v13;
	v59 =	vnsel vm1, $0x8000270F, v2;
	v47 =	vsel vm2, $0xFF800000, v29;
	v60, _, _ =	vpop (xrf0)  }
0x93: {  	v48 =	vsel vm5, $0xFF800000, v34;
	vm1 =	veq.f32 v40, v57;
	vm2 =	veq.f32 v37, v57;
	v29, _, _ =	vpop (xrf0)  }
0x94: {  	s29 =	simm.s32 $0x230;
	v36 =	vsel vm6, $0xFF800000, v30;
	vm6 =	veq.s32 v58, v12;
	(v2sf) =	vpush v29, $0xF  }
0x95: {  	v30 =	vld [tilespmem:s29+$0xFFFFFFE0];
	v37 =	vsel vm7, $0xFF800000, v33;
	vm7 =	veq.f32 v42, v57;
	v34 =	vmax.f32 v47, v48  }
0x96: {  	v63 =	vsel vm9, $0xFF800000, v31;
	v53 =	vsel vm8, $0xFF800000, v28;
	v34 =	vmax.f32 v34, v36;
	v29 =	vld [tilespmem:s29+$0xFFFFFFD0]  }
0x97: {  	v35 =	vld [tilespmem:s29+$0xFFFFFFF0];
	v62 =	vsel vm6, $0xFF800000, v32;
	v61 =	vbroadcast v60, $0xF;
	v33 =	vmax.f32 v34, v37  }
0x98: {  	vm6 =	veq.f32 v41, v57;
	v51 =	vsel vm4, v3, v59;
	v34 =	vld [tilespmem:s29+$0x0];
	v32 =	vmax.f32 v33, v62  }
0x99: {  	v31 =	vld [tilespmem:s29+$0x10];
	v54 =	vsel vm3, v4, v51;
	vm5 =	veq.f32 v19, v61;
	v52 =	vmax.f32 v32, v63  }
0x9a: {  	vm4 =	veq.f32 v21, v61;
	vm8 =	veq.f32 v17, v61;
	v32 =	vld [tilespmem:s29+$0x20];
	v28 =	vmax.f32 v52, v53  }
0x9b: {  	v33 =	vld [tilespmem:s29+$0x24];
	vm3 =	veq.f32 v20, v61;
	(xrf0) =	vmax.scan.msk.f32 $0xffff, v28;
	v28 =	vsel vm7, v5, v54;
	v49 =	vmax.f32 v29, v30  }
0x9c: {  	v56 =	vnsel vm5, $0x8000270F, v2;
	v28 =	vsel vm6, v6, v28;
	v55 =	vmax.f32 v49, v35  }
0x9d: {  	v49 =	vsel vm3, v3, v56;
	v28 =	vsel vm1, v7, v28;
	v41 =	vmax.f32 v55, v34  }
0x9e: {  	v49 =	vsel vm4, v4, v49;
	v28 =	vsel vm2, v8, v28;
	v41 =	vmax.f32 v41, v31  }
0x9f: {  	vm1 =	veq.f32 v16, v61;
	(xrf0) =	vmin.scan.msk.u32 $0xffff, v28;
	v57 =	vsel vm8, v5, v49;
	v28 =	vmax.f32 v41, v32  }
0xa0: {  	vm2 =	veq.f32 v27, v61;
	v41 =	vsel vm1, v6, v57;
	v28 =	vmax.f32 v28, v33  }
0xa1: {  	vm0 =	vmmov vm0;
	vm3 =	veq.f32 v22, v61;
	v58 =	vsel vm2, v7, v41;
	v59, _, _ =	vpop (xrf0);
	(xrf0) =	vmax.scan.msk.f32 $0xffff, v28  }
0xa2: {  	s30 =	simm.s32 $0x2;
	vm1 =	veq.s32 v46, v0;
	v40 =	vsel vm3, v8, v58;
	v41 =	vbroadcast v59, $0xF  }
0xa3: {  	v60 =	vmov s30;
	vm2 =	vmmov vm1;
	v28 =	vsel vm1, s28, v45;
	(xrf0) =	vmin.scan.msk.u32 $0xffff, v40;
	s31 =	spop (v2sf)  }
0xa4: {  	vm1 =	veq.s32 v60, v0;
	vm6 =	veq.f32 v63, v41;
	vm3 =	veq.f32 v53, v41;
	s16 =	sxor.u32 $0x80000000, s31  }
0xa5: {  	vm5 =	veq.f32 v62, v41;
	v42 =	vnsel vm3, $0x8000270F, v2;
	v61, _, _ =	vpop (xrf0);
	v43 =	vmov s16  }
0xa6: {  	(v2sf) =	vpush v61, $0xF;
	vm3 =	veq.s32 v43, v0;
	vm4 =	veq.s32 v43, v9  }
0xa7: {  	v62, _, _ =	vpop (xrf0);
	vm12 =	veq.s32 v43, v10;
	vm11 =	veq.s32 v43, v11;
	vm8 =	veq.s32 v43, v14  }
0xa8: {  	v40 =	vsel vm3, $0xFF800000, v38;
	v38 =	vsel vm4, $0xFF800000, v39;
	v39 =	vbroadcast v62, $0xF  }
0xa9: {  	s18 =	simm.s32 $0x5;
	v63, _, _ =	vpop (xrf0);
	vm10 =	veq.s32 v43, v13;
	vm3 =	veq.f32 v48, v41;
	vm4 =	veq.f32 v47, v41  }
0xaa: {  	s19 =	simm.s32 $0x2B0;
	s15 =	simm.s32 $0x4;
	s17 =	simm.s32 $0x3;
	(v2sf) =	vpush v63, $0xF;
	v44 =	vmax.f32 v40, v38;
	vm7 =	veq.f32 v33, v39  }
.LBB2_3:
0xab: {  	v45 =	vld [tilespmem:s19+$0xFFFFFFD0];
	p2 =	sne.s32 s18, $0xF;
	vm9 =	veq.f32 v35, v39;
	v46 =	vsel vm12, $0xFF800000, v26;
	vm13 =	veq.s32 v43, v12;
	v26 =	vmovc v16;
	v16 =	vmovc v35;
	s20 =	smov.u32 s18;
	s18 =	sadd.s32 $0x1, s18  }
0xac: {  	vm12 =	veq.f32 v37, v41;
	v37 =	vsel vm11, $0xFF800000, v24;
	v24 =	vmovc v17;
	v17 =	vmovc v34;
	v47 =	vld [tilespmem:s19+$0xFFFFFFE0];
	v43 =	vmax.f32 v44, v46  }
0xad: {  	vm11 =	veq.f32 v36, v41;
	v44 =	vsel vm13, $0xFF800000, v25;
	v36 =	vmovc v46;
	v25 =	vmovc v21;
	v35 =	vld [tilespmem:s19+$0xFFFFFFF0];
	v43 =	vmax.f32 v43, v37  }
0xae: {  	v42 =	vsel vm6, v3, v42;
	v21 =	vmovc v31;
	v34 =	vld [tilespmem:s19+$0x0];
	v41 =	vmax.f32 v43, v44;
	v43 =	vsel vm10, $0xFF800000, v23;
	v23 =	vmovc v20  }
0xaf: {  	v46 =	vsel vm8, $0xFF800000, v18;
	v18 =	vmovc v19;
	vm6 =	veq.f32 v21, v39;
	v20 =	vmovc v32;
	v31 =	vld [tilespmem:s19+$0x10];
	v41 =	vmax.f32 v41, v43  }
0xb0: {  	vm8 =	veq.f32 v17, v39;
	v42 =	vsel vm5, v4, v42;
	v19 =	vmovc v33;
	v32 =	vld [tilespmem:s19+$0x20];
	v41 =	vmax.f32 v41, v46  }
0xb1: {  	vm5 =	veq.f32 v20, v39;
	v33 =	vld [tilespmem:s19+$0x24];
	v48 =	vmax.f32 v45, v47;
	(xrf0) =	vmax.scan.msk.f32 $0xffff, v41;
	v41 =	vsel vm12, v5, v42  }
0xb2: {  	v49 =	vmovc v40;
	v42 =	vmax.f32 v48, v35;
	v48 =	vnsel vm7, $0x8000270F, v2;
	v41 =	vsel vm11, v6, v41  }
0xb3: {  	v40 =	vmax.f32 v42, v34;
	v42 =	vsel vm5, v3, v48;
	v41 =	vsel vm3, v7, v41  }
0xb4: {  	v40 =	vmax.f32 v40, v31;
	v42 =	vsel vm6, v4, v42;
	v41 =	vsel vm4, v8, v41  }
0xb5: {  	vm3 =	veq.f32 v29, v39;
	v48 =	vmax.f32 v40, v32;
	v42 =	vsel vm8, v5, v42;
	(xrf0) =	vmin.scan.msk.u32 $0xffff, v41;
	s21 =	spop (v2sf)  }
0xb6: {  	vm4 =	veq.f32 v30, v39;
	v41 =	vmax.f32 v48, v33;
	v39 =	vsel vm9, v6, v42;
	s21 =	sxor.u32 $0x80000000, s21  }
0xb7: {  	v28 =	vsel vm1, s16, v28;
	(xrf0) =	vmax.scan.msk.f32 $0xffff, v41;
	v39 =	vsel vm4, v7, v39;
	v40, _, _ =	vpop (xrf0);
	v15 =	vsel vm0, s21, v15  }
0xb8: {  	vm0 =	vmmov vm2;
	v39 =	vsel vm3, v8, v39;
	v41 =	vbroadcast v40, $0xF  }
0xb9: {  	vm2 =	vmmov vm1;
	v40 =	vmov s17;
	s17 =	smov.u32 s15;
	s15 =	smov.u32 s20;
	(xrf0) =	vmin.scan.msk.u32 $0xffff, v39;
	s16 =	spop (v2sf)  }
0xba: {  	vm1 =	veq.s32 v40, v0;
	s16 =	sxor.u32 $0x80000000, s16;
	vm6 =	veq.f32 v43, v41;
	vm3 =	veq.f32 v46, v41  }
0xbb: {  	vm5 =	veq.f32 v44, v41;
	v43 =	vmov s16;
	v42 =	vnsel vm3, $0x8000270F, v2;
	v39, _, _ =	vpop (xrf0)  }
.Ltmp3:
0xbc: {  	vm3 =	veq.s32 v43, v0;
	vm4 =	veq.s32 v43, v9;
	(v2sf) =	vpush v39, $0xF;
	(pc) =	sbr.rel @p2 .LBB2_3-.Ltmp3, $4  }
0xbd: {  	v39, _, _ =	vpop (xrf0);
	v40 =	vsel vm3, $0xFF800000, v22;
	vm3 =	veq.f32 v38, v41;
	v38 =	vsel vm4, $0xFF800000, v27  }
0xbe: {  	vm4 =	veq.f32 v49, v41;
	v22 =	vmovc v29;
	v29 =	vmovc v45;
	v39 =	vbroadcast v39, $0xF;
	v44 =	vmax.f32 v40, v38  }
0xbf: {  	vm12 =	veq.s32 v43, v10;
	vm11 =	veq.s32 v43, v11;
	vm8 =	veq.s32 v43, v14;
	v27, _, _ =	vpop (xrf0)  }
0xc0: {  	s19 =	sadd.s32 $0x80, s19;
	vm10 =	veq.s32 v43, v13;
	vm7 =	veq.f32 v33, v39;
	(v2sf) =	vpush v27, $0xF;
	v27 =	vmovc v30;
	v30 =	vmovc v47  }
0xc1: {  	v26 =	vsel vm12, $0xFF800000, v26  }
0xc2: {  	vm9 =	veq.s32 v43, v12;
	v24 =	vsel vm11, $0xFF800000, v24;
	vm11 =	veq.f32 v35, v39  }
0xc3: {  	vm12 =	veq.f32 v36, v41;
	v23 =	vsel vm10, $0xFF800000, v23;
	v55 =	vsel vm6, v3, v42  }
0xc4: {  	vm14 =	veq.f32 v31, v39;
	vm15 =	veq.f32 v32, v39;
	v56 =	vnsel vm7, $0x8000270F, v2  }
0xc5: {  	v18 =	vsel vm8, $0xFF800000, v18;
	vm8 =	veq.f32 v34, v39;
	v53 =	vmax.f32 v44, v26  }
0xc6: {  	v25 =	vsel vm9, $0xFF800000, v25;
	vm9 =	veq.f32 v37, v41;
	v37 =	vsel vm5, v4, v55  }
0xc7: {  	v41 =	vsel vm15, v3, v56;
	v43 =	vmax.f32 v53, v24;
	v37 =	vsel vm9, v5, v37  }
0xc8: {  	v41 =	vsel vm14, v4, v41;
	vm9 =	veq.f32 v30, v39;
	v54 =	vmax.f32 v43, v25  }
0xc9: {  	v37 =	vsel vm12, v6, v37;
	v41 =	vsel vm8, v5, v41;
	v36 =	vmax.f32 v54, v23  }
0xca: {  	v37 =	vsel vm3, v7, v37;
	v41 =	vsel vm11, v6, v41;
	v36 =	vmax.f32 v36, v18  }
0xcb: {  	vm10 =	veq.f32 v29, v39;
	v57 =	vsel vm4, v8, v37;
	v58 =	vsel vm9, v7, v41;
	(xrf0) =	vmax.scan.msk.f32 $0xffff, v36  }
0xcc: {  	v59 =	vsel vm10, v8, v58;
	(xrf0) =	vmin.scan.msk.u32 $0xffff, v57  }
0xcd: {  	(xrf0) =	vmin.scan.msk.u32 $0xffff, v59;
	_ =	sdelay $0x3  }
0xce: {  	v60, _, _ =	vpop (xrf0)  }
0xcf: {  	v61, _, _ =	vpop (xrf0)  }
0xd0: {  	(v2sf) =	vpush v61, $0xF;
	v62, _, _ =	vpop (xrf0)  }
0xd1: {  	(v2sf) =	vpush v62, $0xF;
	_ =	sdelay $0x3  }
0xd2: {  	v36 =	vbroadcast v60, $0xF  }
0xd3: {  	s19 =	spop (v2sf)  }
0xd4: {  	s18 =	spop (v2sf);
	vm4 =	veq.f32 v23, v36  }
0xd5: {  	s18 =	sxor.u32 $0x80000000, s18;
	vm11 =	veq.f32 v18, v36;
	vm5 =	veq.f32 v25, v36;
	vm6 =	veq.f32 v38, v36  }
0xd6: {  	vm3 =	veq.f32 v40, v36;
	v63 =	vmov s18;
	v37 =	vnsel vm11, $0x8000270F, v2  }
0xd7: {  	vm12 =	veq.s32 v63, v0;
	vm13 =	veq.s32 v63, v9;
	vm14 =	veq.s32 v63, v10  }
0xd8: {  	vm15 =	veq.s32 v63, v11;
	vm9 =	veq.s32 v63, v14;
	v23 =	vsel vm4, v3, v37  }
0xd9: {  	v22 =	vsel vm12, $0xFF800000, v22;
	v39 =	vsel vm13, $0xFF800000, v27;
	v16 =	vsel vm14, $0xFF800000, v16  }
0xda: {  	vm12 =	veq.s32 v63, v13;
	v17 =	vsel vm15, $0xFF800000, v17;
	vm13 =	veq.s32 v63, v12  }
0xdb: {  	vm14 =	veq.f32 v24, v36;
	vm15 =	veq.f32 v26, v36;
	v27 =	vmax.f32 v22, v39  }
0xdc: {  	v23 =	vsel vm5, v4, v23;
	v19 =	vsel vm9, $0xFF800000, v19;
	v27 =	vmax.f32 v27, v16;
	s21 =	spop (v2sf)  }
0xdd: {  	v21 =	vsel vm13, $0xFF800000, v21;
	v23 =	vsel vm14, v5, v23;
	v40 =	vmax.f32 v27, v17;
	s20 =	spop (v2sf)  }
0xde: {  	v20 =	vsel vm12, $0xFF800000, v20;
	v23 =	vsel vm15, v6, v23;
	v18 =	vmax.f32 v40, v21;
	s20 =	sxor.u32 $0x80000000, s20  }
0xdf: {  	v23 =	vsel vm6, v7, v23;
	v18 =	vmax.f32 v18, v20;
	v41 =	vmov s20  }
0xe0: {  	v18 =	vmax.f32 v18, v19;
	vm12 =	veq.s32 v41, v0;
	vm13 =	veq.s32 v41, v9  }
0xe1: {  	vm14 =	veq.s32 v41, v10;
	v42 =	vsel vm12, $0xFF800000, v29;
	v43 =	vsel vm13, $0xFF800000, v30  }
0xe2: {  	vm15 =	veq.s32 v41, v11;
	v44 =	vsel vm14, $0xFF800000, v35;
	v29 =	vmax.f32 v42, v43  }
0xe3: {  	vm8 =	veq.s32 v41, v12;
	v45 =	vsel vm15, $0xFF800000, v34;
	v29 =	vmax.f32 v29, v44  }
0xe4: {  	vm9 =	veq.s32 v41, v13;
	v46 =	vsel vm8, $0xFF800000, v31;
	v29 =	vmax.f32 v29, v45  }
0xe5: {  	(xrf0) =	vmax.scan.msk.f32 $0xffff, v18;
	vm10 =	veq.s32 v41, v14;
	v48 =	vsel vm9, $0xFF800000, v32;
	v47 =	vmax.f32 v29, v46  }
0xe6: {  	v23 =	vsel vm3, v8, v23;
	v49 =	vsel vm10, $0xFF800000, v33;
	v18 =	vmax.f32 v47, v48  }
0xe7: {  	(xrf0) =	vmin.scan.msk.u32 $0xffff, v23;
	v18 =	vmax.f32 v18, v49  }
0xe8: {  	(xrf0) =	vmax.scan.msk.f32 $0xffff, v18;
	_ =	sdelay $0x2  }
0xe9: {  	v50, _, _ =	vpop (xrf0)  }
0xea: {  	v18 =	vbroadcast v50, $0xF  }
0xeb: {  	v23, _, _ =	vpop (xrf0)  }
0xec: {  	vm3 =	veq.f32 v20, v18;
	v51, _, _ =	vpop (xrf0)  }
0xed: {  	vm11 =	veq.f32 v19, v18;
	vm12 =	veq.f32 v21, v18;
	v52 =	vbroadcast v51, $0xF  }
0xee: {  	vm4 =	veq.f32 v39, v18;
	vm6 =	veq.f32 v22, v18;
	vm13 =	veq.f32 v17, v18  }
0xef: {  	vm14 =	veq.f32 v16, v18;
	v53 =	vnsel vm11, $0x8000270F, v2;
	vm15 =	veq.f32 v49, v52  }
0xf0: {  	v54 =	vsel vm3, v3, v53;
	vm10 =	veq.f32 v48, v52;
	v55 =	vnsel vm15, $0x8000270F, v2  }
0xf1: {  	v16 =	vsel vm12, v4, v54;
	vm11 =	veq.f32 v46, v52;
	v17 =	vsel vm10, v3, v55  }
0xf2: {  	v16 =	vsel vm13, v5, v16;
	vm12 =	veq.f32 v45, v52;
	v17 =	vsel vm11, v4, v17  }
0xf3: {  	v16 =	vsel vm14, v6, v16;
	vm13 =	veq.f32 v44, v52;
	v17 =	vsel vm12, v5, v17  }
0xf4: {  	v16 =	vsel vm4, v7, v16;
	vm14 =	veq.f32 v43, v52;
	v17 =	vsel vm13, v6, v17  }
0xf5: {  	v16 =	vsel vm6, v8, v16;
	vm15 =	veq.f32 v42, v52;
	v17 =	vsel vm14, v7, v17  }
0xf6: {  	(xrf0) =	vmin.scan.msk.u32 $0xffff, v16;
	v56 =	vsel vm15, v8, v17  }
0xf7: {  	(xrf0) =	vmin.scan.msk.u32 $0xffff, v56;
	_ =	sdelay $0x2  }
0xf8: {  	(v2sf) =	vpush v23, $0xF;
	_ =	sdelay $0x1  }
0xf9: {  	v57, _, _ =	vpop (xrf0)  }
0xfa: {  	(v2sf) =	vpush v57, $0xF;
	v58, _, _ =	vpop (xrf0)  }
0xfb: {  	(v2sf) =	vpush v58, $0xF;
	_ =	sdelay $0x7  }
0xfc: {  	v61 =	vld [tilespmem:$0x800];
	_ =	sdelay $0x1  }
0xfd: {  	vm7 =	vmmov vm2;
	v59 =	vmov s17;
	s23 =	sxor.u32 $0x80000000, s19  }
0xfe: {  	v15 =	vsel vm0, s23, v15;
	v60 =	vsel vm1, s16, v28;
	s24 =	sxor.u32 $0x80000000, s21;
	vm8 =	vmmov vm1;
	s25 =	spop (v2sf)  }
0xff: {  	v62 =	vmov s15;
	v15 =	vsel vm7, s24, v15;
	vm9 =	vmmov vm8;
	s26 =	sxor.u32 $0x80000000, s25  }
0x100: {  	v63 =	vmul.u32 $0x64, v61;
	vm6 =	veq.s32 v59, v0;
	v15 =	vsel vm9, s26, v15  }
0x101: {  	vm10 =	vmmov vm6;
	vm11 =	veq.s32 v62, v0;
	v17 =	vsel vm6, s18, v60;
	s28 =	spop (v2sf)  }
0x102: {  	vm12 =	vmmov vm10;
	vm13 =	vmmov vm11;
	v17 =	vsel vm11, s20, v17;
	s29 =	sxor.u32 $0x80000000, s28;
	s30 =	spop (v2sf)  }
0x103: {  	vm14 =	vmmov vm13;
	vm15 =	veq.s32 v61, v17;
	v15 =	vsel vm12, s29, v15;
	s31 =	sxor.u32 $0x80000000, s30  }
0x104: {  	v16 =	vsel vm15, $0x3F800000, v1;
	v15 =	vsel vm14, s31, v15  }
0x105: {  	[tilespmem:$0x900] =	vst v16;
	v15 =	vadd.s32 v15, v63  }
0x106: {  	[tilespmem:$0x880] =	vst v15  }
.Ltmp4:
0x107: {  	[bflag:$0x0] =	sbarrier.arrive $0xFFFF;
	(pc) =	sbr.rel .LBB2_6-.Ltmp4, $4  }
0x108: {  	[spmem:s1] =	stream.indirect.scatter.add.f32 [tilespmem:s14], [sflag:$0x1], $0x1, s13, s12, $0xb8;
	[tilespmem:$0x3600] =	vst v63  }
0x109: {  	_ =	swait.ge [sflag:s9], $0x10  }
0x10a: {  	[sflag:s9] =	ssyncset.done $0x0  }
0x10b: {  	[sflag:s9] =	ssyncadd.s32 $0xFFFFFFF0  }
.LBB2_7:
0x10c: {  	_ =	sfence.sel $0x180000  }
0x10d: {  	[bflag:$0x0] =	sbarrier.arrive $0xFFFF  }
0x10e: {  	p0 =	sne.s32 s3, $0x0;
	_ =	strace $0x90000047  }
0x10f: {  	s0 =	sadd.s32 @!p0 $0x100000, s0;
	[bflag:$0x2] =	sbarrier.arrive $0xFFFF  }
0x110: {  	[sflag:s0] =	ssyncadd.tile.s32 @!p0 $0x1;
	_ =	shalt  }
.Lfunc_end2:
_tile_overlayer_lowered:
.L_overlay_start_2:
0x111: {  	(tag) =	ssettag $0x2  }
0x112: {  	s0 =	rddreg [dreg:$0x0];
	s2 =	stileid.u32  }
0x113: {  	s1 =	rddreg [dreg:$0x1];
	p0 =	sne.s32 s2, $0x0  }
0x114: {  	s3 =	rddreg [dreg:$0x2];
	[bflag:$0x3] =	sbarrier.arrive $0xFFFF;
	s2 =	simm.s32 @!p0 $0x1C01  }
0x115: {  	[timem:s3], [sflag:s2] =	dma.local @!p0 [hbm:s0], s1  }
0x116: {  	s0 =	simm.s32 @!p0 $0x1  }
0x117: {  	_ =	swait.ge @!p0 [sflag:s0], s1  }
0x118: {  	s1 =	ssub.s32 @!p0 $0x0, s1;
	[sflag:s0] =	ssyncset.done @!p0 $0x0  }
0x119: {  	[sflag:s0] =	ssyncadd.s32 @!p0 s1  }
0x11a: {  	[bflag:$0x3] =	sbarrier.arrive $0xFFFF  }
0x11b: {  	_ =	shalt  }

</sc_bundles>
